<compile_context>
chip_gen: v7x
topology: tpu7x:2x2x1
jax: 0.10.2.dev20260603
libtpu: 0.0.44.dev20260713+nightly
codegen_flags: <defaults>
</compile_context>

<pallas_src>
import functools

import jax
import jax.numpy as jnp
from jax import lax
from jax.experimental import pallas as pl
from jax.experimental.pallas import tpu as pltpu
from jax.experimental.pallas import tpu_sc as plsc

_N = 100000
_D = 128
_MAX_DEG = 32
_B = 512
_NS1 = 25
_NS2 = 10
_DIM = 128

_NC = 2
_NSC = 16
_NW = _NC * _NSC
_BPW = _B // _NW
_S1W = _BPW * _NS2
_PCH = 5
_RCH = _PCH * _NS1
_GROW = 128
_NCH = _S1W // _PCH
_IDXW = 80
_LANES = 16


def _sc_sample_gather_agg(features, adj4, batch1):
    mesh = plsc.VectorSubcoreMesh(core_axis_name="c", subcore_axis_name="s",
                                  num_cores=_NC, num_subcores=_NSC)

    @functools.partial(
        pl.kernel,
        out_type=(
            jax.ShapeDtypeStruct((_B, _D), jnp.float32),
            jax.ShapeDtypeStruct((_B * _NS2, _D), jnp.float32),
            jax.ShapeDtypeStruct((_B * _NS2, _D), jnp.float32),
        ),
        mesh=mesh,
        compiler_params=pltpu.CompilerParams(needs_layout_passes=False),
        scratch_types=[
            pltpu.VMEM((_BPW,), jnp.int32),
            pltpu.VMEM((_BPW,), jnp.int32),
            pltpu.VMEM((_BPW,), jnp.int32),
            pltpu.VMEM((_BPW, 4 * _MAX_DEG), jnp.int32),
            pltpu.VMEM((2, _IDXW), jnp.int32),
            pltpu.VMEM((2, _IDXW), jnp.int32),
            pltpu.VMEM((_S1W,), jnp.int32),
            pltpu.VMEM((_S1W, 4 * _MAX_DEG), jnp.int32),
            pltpu.VMEM((2, _GROW), jnp.int32),
            pltpu.VMEM((_BPW, _D), jnp.float32),
            pltpu.VMEM((_S1W, _D), jnp.float32),
            pltpu.VMEM((_GROW, _D), jnp.float32),
            pltpu.VMEM((_S1W, _D), jnp.float32),
            pltpu.SemaphoreType.DMA,
        ],
    )
    def k(feat_hbm, adj_hbm, batch_hbm, h0_out, h1_out, h2s_out,
          bq_v, boff_v, bidx_v, adj0_v, s1_v, s1q_v, off1_v, adj1_v, s2_v,
          h0_v, h1_v, gbuf0, h2s_v, sem):
        wid = lax.axis_index("s") * _NC + lax.axis_index("c")
        base_b = wid * _BPW
        base_s1 = wid * _S1W
        lane = lax.iota(jnp.int32, _LANES)

        pltpu.sync_copy(batch_hbm.at[pl.ds(base_b, _BPW)], bidx_v)
        b = bidx_v[...]
        bq_v[...] = lax.shift_right_logical(b, 2)
        boff_v[...] = lax.shift_left(lax.bitwise_and(b, 3), 5)
        cp_adj0 = pltpu.async_copy(adj_hbm.at[bq_v], adj0_v, sem)
        cp_h0 = pltpu.async_copy(feat_hbm.at[bidx_v], h0_v, sem)
        cp_adj0.wait()
        cp_h0.wait()

        for g in range(_S1W // _LANES):
            j = g * _LANES + lane
            r = lax.div(j, _NS2)
            c = lax.rem(j, _NS2)
            col = plsc.load_gather(boff_v, [r]) + c
            vals = plsc.load_gather(adj0_v, [r, col])
            s1_v[g // 5, pl.ds((g % 5) * _LANES, _LANES)] = vals
            s1q_v[g // 5, pl.ds((g % 5) * _LANES, _LANES)] = (
                lax.shift_right_logical(vals, 2))
            off1_v[pl.ds(g * _LANES, _LANES)] = (
                lax.shift_left(lax.bitwise_and(vals, 3), 5))

        cps = []
        for t in range(2):
            dst = pl.ds(t * _IDXW, _IDXW)
            cps.append(pltpu.async_copy(feat_hbm.at[s1_v.at[t]], h1_v.at[dst], sem))
            cps.append(pltpu.async_copy(adj_hbm.at[s1q_v.at[t]], adj1_v.at[dst], sem))
        for cp in cps:
            cp.wait()

        pltpu.sync_copy(h0_v, h0_out.at[pl.ds(base_b, _BPW)])
        pltpu.sync_copy(h1_v, h1_out.at[pl.ds(base_s1, _S1W)])

        gbufs = (gbuf0,)
        sems = (sem,)

        def fire_chunk(cc, b):
            for g in range(_GROW // _LANES):
                j = g * _LANES + lane
                p = lax.min(lax.div(j, _NS1), _PCH - 1)
                c = lax.rem(j, _NS1)
                pg = cc * _PCH + p
                col = plsc.load_gather(off1_v, [pg]) + c
                vals = plsc.load_gather(adj1_v, [pg, col])
                s2_v[b, pl.ds(g * _LANES, _LANES)] = vals
            pltpu.async_copy(feat_hbm.at[s2_v.at[b]], gbufs[b], sems[b])

        def wait_chunk(b):
            pltpu.make_async_copy(
                feat_hbm.at[s2_v.at[b]], gbufs[b], sems[b]).wait()

        def reduce_chunk(cc, b):
            gb = gbufs[b]
            def parent_body(p, c2):
                row0 = p * _NS1
                def r_body(r, accs):
                    row = row0 + r
                    return tuple(
                        accs[d] + gb[row, pl.ds(d * _LANES, _LANES)]
                        for d in range(_D // _LANES)
                    )
                accs = lax.fori_loop(
                    0, _NS1, r_body,
                    tuple(jnp.zeros((_LANES,), jnp.float32)
                          for _ in range(_D // _LANES)))
                for d in range(_D // _LANES):
                    h2s_v[cc * _PCH + p, pl.ds(d * _LANES, _LANES)] = accs[d]
                return c2
            lax.fori_loop(0, _PCH, parent_body, 0)

        def pipe_body(cc, carry):
            fire_chunk(cc, 0)
            wait_chunk(0)
            reduce_chunk(cc, 0)
            return carry

        lax.fori_loop(0, _NCH, pipe_body, 0)

        pltpu.sync_copy(h2s_v, h2s_out.at[pl.ds(base_s1, _S1W)])

    return k(features, adj4, batch1)


def _tc_dense(h0, h1, h2s, W_self1, W_neigh1, W_self2, W_neigh2):
    def body(h0_r, h1_r, h2s_r, ws1_r, wn1_r, ws2_r, wn2_r, out_r):
        f32 = jnp.float32
        h1v = h1_r[...]
        nh1 = jnp.maximum(jnp.concatenate([
            jnp.dot(h1v, ws1_r[...], preferred_element_type=f32),
            jnp.dot(h2s_r[...] * (1.0 / _NS1), wn1_r[...],
                    preferred_element_type=f32)], axis=1), 0.0)
        nh1m = jnp.mean(nh1.reshape(_B, _NS2, 2 * _DIM), axis=1)
        h1m = jnp.mean(h1v.reshape(_B, _NS2, _D), axis=1)
        nh0 = jnp.maximum(jnp.concatenate([
            jnp.dot(h0_r[...], ws1_r[...], preferred_element_type=f32),
            jnp.dot(h1m, wn1_r[...], preferred_element_type=f32)],
            axis=1), 0.0)
        o = jnp.concatenate([
            jnp.dot(nh0, ws2_r[...], preferred_element_type=f32),
            jnp.dot(nh1m, wn2_r[...], preferred_element_type=f32)], axis=1)
        nrm = jnp.sqrt(jnp.sum(o * o, axis=1, keepdims=True))
        out_r[...] = o / jnp.maximum(nrm, 1e-12)

    return pl.pallas_call(
        body,
        out_shape=jax.ShapeDtypeStruct((_B, 2 * _DIM), jnp.float32),
    )(h0, h1, h2s, W_self1, W_neigh1, W_self2, W_neigh2)


@jax.jit
def kernel(features, W_self1, W_neigh1, W_self2, W_neigh2, adj, batch1):
    batch1 = batch1.astype(jnp.int32)
    adj4 = adj.reshape(_N // 4, 4 * _MAX_DEG)
    h0, h1, h2s = _sc_sample_gather_agg(features, adj4, batch1)
    return _tc_dense(h0, h1, h2s, W_self1, W_neigh1, W_self2, W_neigh2)

# --- scband reference (transcript-rebuilt; emitter-appended) ---
"""Pipeline reference for scband-sample-and-aggregate-64295660421648 (READ-ONLY COPY).

The authoritative reference and input builder live on the scoring server;
editing this copy changes nothing except your own understanding.
"""

import jax, jax.numpy as jnp
import numpy as np

N = 100000      # n_nodes
D = 128         # d_feat
MAX_DEG = 32    # padded adjacency width
B = 512         # batch size
NS1 = 25        # layer-1 fanout (layer_infos[0].num_samples)
NS2 = 10        # layer-2 fanout (layer_infos[1].num_samples)
DIM1 = 128      # layer_infos[0].output_dim
DIM2 = 128      # layer_infos[1].output_dim


def setup_inputs(seed: int = 0) -> dict:
    key = jax.random.key(seed)
    k1, k2, k3, k4, k5, k6, k7 = jax.random.split(key, 7)
    features = jax.random.normal(k1, (N, D), dtype=jnp.float32)
    adj = jax.random.randint(k2, (N, MAX_DEG), 0, N, dtype=jnp.int32)
    batch1 = jax.random.randint(k3, (B,), 0, N, dtype=jnp.int32)
    s = 0.05
    # MeanAggregator params (concat=True): self and neigh weight per layer
    W_self1 = (jax.random.normal(k4, (D, DIM1), dtype=jnp.float32) * s)
    W_neigh1 = (jax.random.normal(k5, (D, DIM1), dtype=jnp.float32) * s)
    W_self2 = (jax.random.normal(k6, (2 * DIM1, DIM2), dtype=jnp.float32) * s)
    W_neigh2 = (jax.random.normal(k7, (2 * DIM1, DIM2), dtype=jnp.float32) * s)
    return {
        "features": features,
        "W_self1": W_self1,
        "W_neigh1": W_neigh1,
        "W_self2": W_self2,
        "W_neigh2": W_neigh2,
        "adj": adj,
        "batch1": batch1,
    }


def _sample(adj, ids, num):
    # UniformNeighborSampler: gather padded adjacency rows, take `num` neighbors
    neigh = jnp.take(adj, ids, axis=0)          # [n, MAX_DEG]
    return neigh[:, :num].reshape(-1)           # [n * num]


def reference(features, W_self1, W_neigh1, W_self2, W_neigh2, adj, batch1):
    batch1 = batch1.astype(jnp.int32)
    # --- sample(): support sizes [1, NS2, NS2*NS1] ---
    samples0 = batch1                                  # [B]
    samples1 = _sample(adj, samples0, NS2)             # [B*NS2]
    samples2 = _sample(adj, samples1, NS1)             # [B*NS2*NS1]
    # --- aggregate(): gather features for all supports ---
    h0 = jnp.take(features, samples0, axis=0)          # [B, D]
    h1 = jnp.take(features, samples1, axis=0)          # [B*NS2, D]
    h2 = jnp.take(features, samples2, axis=0)          # [B*NS2*NS1, D]

    def mean_agg(self_v, neigh_v, Ws, Wn, act):
        neigh_means = jnp.mean(neigh_v, axis=1)
        out = jnp.concatenate([self_v @ Ws, neigh_means @ Wn], axis=1)
        return act(out)

    # layer 1 (relu), applied at hops 0 and 1
    nh0 = mean_agg(h0, h1.reshape(B, NS2, D), W_self1, W_neigh1, jax.nn.relu)              # [B, 2*DIM1]
    nh1 = mean_agg(h1, h2.reshape(B * NS2, NS1, D), W_self1, W_neigh1, jax.nn.relu)         # [B*NS2, 2*DIM1]
    # layer 2 (linear), hop 0 only
    out = mean_agg(nh0, nh1.reshape(B, NS2, 2 * DIM1), W_self2, W_neigh2, lambda x: x)      # [B, 2*DIM2]
    # l2-normalize embeddings as in _build
    out = out / jnp.maximum(jnp.linalg.norm(out, axis=1, keepdims=True), 1e-12)
    return out

if __name__ == "__main__":
    import jax
    _d = setup_inputs()
    print(jax.jit(kernel)(*tuple(_d.values())))

</pallas_src>

<mosaic_0001>
#map = affine_map<(d0, d1) -> (0, 0)>
#map1 = affine_map<(d0, d1) -> (0)>
module attributes {stable_mosaic.version = 14 : i64} {
  func.func @k(%arg0: i32, %arg1: i32, %arg2: memref<100000x128xf32, #tpu.memory_space<hbm>>, %arg3: memref<25000x128xi32, #tpu.memory_space<hbm>>, %arg4: memref<512xi32, #tpu.memory_space<hbm>>, %arg5: memref<512x128xf32, #tpu.memory_space<hbm>>, %arg6: memref<5120x128xf32, #tpu.memory_space<hbm>>, %arg7: memref<5120x128xf32, #tpu.memory_space<hbm>>, %arg8: memref<16xi32, #tpu.memory_space<vmem>>, %arg9: memref<16xi32, #tpu.memory_space<vmem>>, %arg10: memref<16xi32, #tpu.memory_space<vmem>>, %arg11: memref<16x128xi32, #tpu.memory_space<vmem>>, %arg12: memref<2x80xi32, #tpu.memory_space<vmem>>, %arg13: memref<2x80xi32, #tpu.memory_space<vmem>>, %arg14: memref<160xi32, #tpu.memory_space<vmem>>, %arg15: memref<160x128xi32, #tpu.memory_space<vmem>>, %arg16: memref<2x128xi32, #tpu.memory_space<vmem>>, %arg17: memref<16x128xf32, #tpu.memory_space<vmem>>, %arg18: memref<160x128xf32, #tpu.memory_space<vmem>>, %arg19: memref<128x128xf32, #tpu.memory_space<vmem>>, %arg20: memref<160x128xf32, #tpu.memory_space<vmem>>, %arg21: memref<!tpu.dma_semaphore, #tpu.memory_space<semaphore_mem>>) attributes {dimension_semantics = [#tpu.dimension_semantics<core_parallel>, #tpu.dimension_semantics<subcore_parallel>], iteration_bounds = array<i64: 2, 16>, scalar_prefetch = 0 : i64, scratch_operands = 14 : i64, tpu.core_type = #tpu.core_type<sc_vector_subcore>, window_params = [{transform_indices = #map}, {transform_indices = #map}, {transform_indices = #map1}, {transform_indices = #map}, {transform_indices = #map}, {transform_indices = #map}]} {
    %mul3A = arith.constant 2 : i32
    %mul3A_0 = arith.muli %arg1, %mul3A : i32
    %add3A = arith.addi %mul3A_0, %arg0 : i32
    %mul3A_1 = arith.constant 16 : i32
    %mul3A_2 = arith.muli %add3A, %mul3A_1 : i32
    %mul3A_3 = arith.constant 160 : i32
    %mul3A_4 = arith.muli %add3A, %mul3A_3 : i32
    %iota3A = tpu.iota {dimensions = array<i32: 0>} : vector<16xi32>
    "tpu.region"() ({
      %run_scoped3A = tpu.sem_alloc : memref<!tpu.dma_semaphore, #tpu.memory_space<semaphore_mem>>
      %dma_start3A_417 = tpu.memref_slice %arg4[%mul3A_2] : memref<512xi32, #tpu.memory_space<hbm>> -> memref<16xi32, #tpu.memory_space<hbm>>
      %dma_start3A_418 = tpu.memref_slice %arg4[%mul3A_2] : memref<512xi32, #tpu.memory_space<hbm>> -> memref<16xi32, #tpu.memory_space<hbm>>
      tpu.enqueue_dma source(%dma_start3A_418 : memref<16xi32, #tpu.memory_space<hbm>>) target(%arg10 : memref<16xi32, #tpu.memory_space<vmem>>) target_semaphore(%run_scoped3A : memref<!tpu.dma_semaphore, #tpu.memory_space<semaphore_mem>>)
      %dma_wait3A_419 = tpu.memref_slice %arg4[%mul3A_2] : memref<512xi32, #tpu.memory_space<hbm>> -> memref<16xi32, #tpu.memory_space<hbm>>
      %dma_wait3A_420 = tpu.memref_slice %arg4[%mul3A_2] : memref<512xi32, #tpu.memory_space<hbm>> -> memref<16xi32, #tpu.memory_space<hbm>>
      tpu.wait_dma2 semaphore(%run_scoped3A : memref<!tpu.dma_semaphore, #tpu.memory_space<semaphore_mem>>) src(%dma_wait3A_420 : memref<16xi32, #tpu.memory_space<hbm>>) dst(%arg10 : memref<16xi32, #tpu.memory_space<vmem>>)
      tpu.yield
    }) : () -> ()
    %get3A = arith.constant 0 : index
    %get3A_5 = tpu.vector_load %arg10[%get3A] {strides = array<i32>} : memref<16xi32, #tpu.memory_space<vmem>>, vector<16xi32>,
    %shift_right_logical3A = arith.constant 2 : i32
    %shift_right_logical3A_6 = vector.broadcast %shift_right_logical3A : i32 to vector<16xi32>
    %shift_right_logical3A_7 = arith.shrui %get3A_5, %shift_right_logical3A_6 : vector<16xi32>
    %swap3A = arith.constant 0 : index
    %swap3A_8 = tpu.vector_load %arg8[%swap3A] {strides = array<i32>} : memref<16xi32, #tpu.memory_space<vmem>>, vector<16xi32>,
    tpu.vector_store %arg8[%swap3A], %shift_right_logical3A_7 {strides = array<i32>} : memref<16xi32, #tpu.memory_space<vmem>>, vector<16xi32>,
    %and3A = arith.constant 3 : i32
    %and3A_9 = vector.broadcast %and3A : i32 to vector<16xi32>
    %and3A_10 = arith.andi %get3A_5, %and3A_9 : vector<16xi32>
    %shift_left3A = arith.constant 5 : i32
    %shift_left3A_11 = vector.broadcast %shift_left3A : i32 to vector<16xi32>
    %shift_left3A_12 = arith.shli %and3A_10, %shift_left3A_11 : vector<16xi32>
    %swap3A_13 = arith.constant 0 : index
    %swap3A_14 = tpu.vector_load %arg9[%swap3A_13] {strides = array<i32>} : memref<16xi32, #tpu.memory_space<vmem>>, vector<16xi32>,
    tpu.vector_store %arg9[%swap3A_13], %shift_left3A_12 {strides = array<i32>} : memref<16xi32, #tpu.memory_space<vmem>>, vector<16xi32>,
    %dma_start3A = arith.constant 0 : i32
    %dma_start3A_15 = arith.constant 0 : i32
    %dma_start3A_16 = tpu.memref_slice %arg3[%dma_start3A, %dma_start3A_15] : memref<25000x128xi32, #tpu.memory_space<hbm>> -> memref<25000x128xi32, #tpu.memory_space<hbm>>
    tpu.enqueue_indirect_dma source(%dma_start3A_16 : memref<25000x128xi32, #tpu.memory_space<hbm>>) target(%arg11 : memref<16x128xi32, #tpu.memory_space<vmem>>) offsets(%arg8 : memref<16xi32, #tpu.memory_space<vmem>>) semaphore(%arg21 : memref<!tpu.dma_semaphore, #tpu.memory_space<semaphore_mem>>)
    %dma_start3A_17 = arith.constant 0 : i32
    %dma_start3A_18 = arith.constant 0 : i32
    %dma_start3A_19 = tpu.memref_slice %arg2[%dma_start3A_17, %dma_start3A_18] : memref<100000x128xf32, #tpu.memory_space<hbm>> -> memref<100000x128xf32, #tpu.memory_space<hbm>>
    tpu.enqueue_indirect_dma source(%dma_start3A_19 : memref<100000x128xf32, #tpu.memory_space<hbm>>) target(%arg17 : memref<16x128xf32, #tpu.memory_space<vmem>>) offsets(%arg10 : memref<16xi32, #tpu.memory_space<vmem>>) semaphore(%arg21 : memref<!tpu.dma_semaphore, #tpu.memory_space<semaphore_mem>>)
    %dma_wait3A = arith.constant 0 : i32
    %dma_wait3A_20 = arith.constant 0 : i32
    %dma_wait3A_21 = tpu.memref_slice %arg3[%dma_wait3A, %dma_wait3A_20] : memref<25000x128xi32, #tpu.memory_space<hbm>> -> memref<25000x128xi32, #tpu.memory_space<hbm>>
    tpu.wait_indirect_dma semaphore(%arg21 : memref<!tpu.dma_semaphore, #tpu.memory_space<semaphore_mem>>) src(%dma_wait3A_21 : memref<25000x128xi32, #tpu.memory_space<hbm>>) dst(%arg11 : memref<16x128xi32, #tpu.memory_space<vmem>>)
    %dma_wait3A_22 = arith.constant 0 : i32
    %dma_wait3A_23 = arith.constant 0 : i32
    %dma_wait3A_24 = tpu.memref_slice %arg2[%dma_wait3A_22, %dma_wait3A_23] : memref<100000x128xf32, #tpu.memory_space<hbm>> -> memref<100000x128xf32, #tpu.memory_space<hbm>>
    tpu.wait_indirect_dma semaphore(%arg21 : memref<!tpu.dma_semaphore, #tpu.memory_space<semaphore_mem>>) src(%dma_wait3A_24 : memref<100000x128xf32, #tpu.memory_space<hbm>>) dst(%arg17 : memref<16x128xf32, #tpu.memory_space<vmem>>)
    %add3A_25 = arith.constant 0 : i32
    %add3A_26 = vector.broadcast %add3A_25 : i32 to vector<16xi32>
    %add3A_27 = arith.addi %add3A_26, %iota3A : vector<16xi32>
    %div3A = arith.constant 10 : i32
    %div3A_28 = vector.broadcast %div3A : i32 to vector<16xi32>
    %div3A_29 = arith.divsi %add3A_27, %div3A_28 : vector<16xi32>
    %rem3A = arith.constant 10 : i32
    %rem3A_30 = vector.broadcast %rem3A : i32 to vector<16xi32>
    %rem3A_31 = arith.remsi %add3A_27, %rem3A_30 : vector<16xi32>
    %gather3A = tpu.vector_load_idx %arg9[%div3A_29] : memref<16xi32, #tpu.memory_space<vmem>>[vector<16xi32>], vector<16xi32>,
    %add3A_32 = arith.addi %gather3A, %rem3A_31 : vector<16xi32>
    %gather3A_33 = tpu.vector_load_idx %arg11[%div3A_29, %add3A_32] : memref<16x128xi32, #tpu.memory_space<vmem>>[vector<16xi32>, vector<16xi32>], vector<16xi32>,
    %swap3A_34 = arith.constant 0 : i32
    %swap3A_35 = arith.index_cast %swap3A_34 : i32 to index
    %swap3A_36 = arith.constant 0 : index
    %swap3A_37 = tpu.vector_load %arg12[%swap3A_35, %swap3A_36] {strides = array<i32>} : memref<2x80xi32, #tpu.memory_space<vmem>>, vector<16xi32>,
    tpu.vector_store %arg12[%swap3A_35, %swap3A_36], %gather3A_33 {strides = array<i32>} : memref<2x80xi32, #tpu.memory_space<vmem>>, vector<16xi32>,
    %shift_right_logical3A_38 = arith.constant 2 : i32
    %shift_right_logical3A_39 = vector.broadcast %shift_right_logical3A_38 : i32 to vector<16xi32>
    %shift_right_logical3A_40 = arith.shrui %gather3A_33, %shift_right_logical3A_39 : vector<16xi32>
    %swap3A_41 = arith.constant 0 : i32
    %swap3A_42 = arith.index_cast %swap3A_41 : i32 to index
    %swap3A_43 = arith.constant 0 : index
    %swap3A_44 = tpu.vector_load %arg13[%swap3A_42, %swap3A_43] {strides = array<i32>} : memref<2x80xi32, #tpu.memory_space<vmem>>, vector<16xi32>,
    tpu.vector_store %arg13[%swap3A_42, %swap3A_43], %shift_right_logical3A_40 {strides = array<i32>} : memref<2x80xi32, #tpu.memory_space<vmem>>, vector<16xi32>,
    %and3A_45 = arith.constant 3 : i32
    %and3A_46 = vector.broadcast %and3A_45 : i32 to vector<16xi32>
    %and3A_47 = arith.andi %gather3A_33, %and3A_46 : vector<16xi32>
    %shift_left3A_48 = arith.constant 5 : i32
    %shift_left3A_49 = vector.broadcast %shift_left3A_48 : i32 to vector<16xi32>
    %shift_left3A_50 = arith.shli %and3A_47, %shift_left3A_49 : vector<16xi32>
    %swap3A_51 = arith.constant 0 : index
    %swap3A_52 = tpu.vector_load %arg14[%swap3A_51] {strides = array<i32>} : memref<160xi32, #tpu.memory_space<vmem>>, vector<16xi32>,
    tpu.vector_store %arg14[%swap3A_51], %shift_left3A_50 {strides = array<i32>} : memref<160xi32, #tpu.memory_space<vmem>>, vector<16xi32>,
    %add3A_53 = arith.constant 16 : i32
    %add3A_54 = vector.broadcast %add3A_53 : i32 to vector<16xi32>
    %add3A_55 = arith.addi %add3A_54, %iota3A : vector<16xi32>
    %div3A_56 = arith.constant 10 : i32
    %div3A_57 = vector.broadcast %div3A_56 : i32 to vector<16xi32>
    %div3A_58 = arith.divsi %add3A_55, %div3A_57 : vector<16xi32>
    %rem3A_59 = arith.constant 10 : i32
    %rem3A_60 = vector.broadcast %rem3A_59 : i32 to vector<16xi32>
    %rem3A_61 = arith.remsi %add3A_55, %rem3A_60 : vector<16xi32>
    %gather3A_62 = tpu.vector_load_idx %arg9[%div3A_58] : memref<16xi32, #tpu.memory_space<vmem>>[vector<16xi32>], vector<16xi32>,
    %add3A_63 = arith.addi %gather3A_62, %rem3A_61 : vector<16xi32>
    %gather3A_64 = tpu.vector_load_idx %arg11[%div3A_58, %add3A_63] : memref<16x128xi32, #tpu.memory_space<vmem>>[vector<16xi32>, vector<16xi32>], vector<16xi32>,
    %swap3A_65 = arith.constant 0 : i32
    %swap3A_66 = arith.index_cast %swap3A_65 : i32 to index
    %swap3A_67 = arith.constant 16 : index
    %swap3A_68 = tpu.vector_load %arg12[%swap3A_66, %swap3A_67] {strides = array<i32>} : memref<2x80xi32, #tpu.memory_space<vmem>>, vector<16xi32>,
    tpu.vector_store %arg12[%swap3A_66, %swap3A_67], %gather3A_64 {strides = array<i32>} : memref<2x80xi32, #tpu.memory_space<vmem>>, vector<16xi32>,
    %shift_right_logical3A_69 = arith.constant 2 : i32
    %shift_right_logical3A_70 = vector.broadcast %shift_right_logical3A_69 : i32 to vector<16xi32>
    %shift_right_logical3A_71 = arith.shrui %gather3A_64, %shift_right_logical3A_70 : vector<16xi32>
    %swap3A_72 = arith.constant 0 : i32
    %swap3A_73 = arith.index_cast %swap3A_72 : i32 to index
    %swap3A_74 = arith.constant 16 : index
    %swap3A_75 = tpu.vector_load %arg13[%swap3A_73, %swap3A_74] {strides = array<i32>} : memref<2x80xi32, #tpu.memory_space<vmem>>, vector<16xi32>,
    tpu.vector_store %arg13[%swap3A_73, %swap3A_74], %shift_right_logical3A_71 {strides = array<i32>} : memref<2x80xi32, #tpu.memory_space<vmem>>, vector<16xi32>,
    %and3A_76 = arith.constant 3 : i32
    %and3A_77 = vector.broadcast %and3A_76 : i32 to vector<16xi32>
    %and3A_78 = arith.andi %gather3A_64, %and3A_77 : vector<16xi32>
    %shift_left3A_79 = arith.constant 5 : i32
    %shift_left3A_80 = vector.broadcast %shift_left3A_79 : i32 to vector<16xi32>
    %shift_left3A_81 = arith.shli %and3A_78, %shift_left3A_80 : vector<16xi32>
    %swap3A_82 = arith.constant 16 : index
    %swap3A_83 = tpu.vector_load %arg14[%swap3A_82] {strides = array<i32>} : memref<160xi32, #tpu.memory_space<vmem>>, vector<16xi32>,
    tpu.vector_store %arg14[%swap3A_82], %shift_left3A_81 {strides = array<i32>} : memref<160xi32, #tpu.memory_space<vmem>>, vector<16xi32>,
    %add3A_84 = arith.constant 32 : i32
    %add3A_85 = vector.broadcast %add3A_84 : i32 to vector<16xi32>
    %add3A_86 = arith.addi %add3A_85, %iota3A : vector<16xi32>
    %div3A_87 = arith.constant 10 : i32
    %div3A_88 = vector.broadcast %div3A_87 : i32 to vector<16xi32>
    %div3A_89 = arith.divsi %add3A_86, %div3A_88 : vector<16xi32>
    %rem3A_90 = arith.constant 10 : i32
    %rem3A_91 = vector.broadcast %rem3A_90 : i32 to vector<16xi32>
    %rem3A_92 = arith.remsi %add3A_86, %rem3A_91 : vector<16xi32>
    %gather3A_93 = tpu.vector_load_idx %arg9[%div3A_89] : memref<16xi32, #tpu.memory_space<vmem>>[vector<16xi32>], vector<16xi32>,
    %add3A_94 = arith.addi %gather3A_93, %rem3A_92 : vector<16xi32>
    %gather3A_95 = tpu.vector_load_idx %arg11[%div3A_89, %add3A_94] : memref<16x128xi32, #tpu.memory_space<vmem>>[vector<16xi32>, vector<16xi32>], vector<16xi32>,
    %swap3A_96 = arith.constant 0 : i32
    %swap3A_97 = arith.index_cast %swap3A_96 : i32 to index
    %swap3A_98 = arith.constant 32 : index
    %swap3A_99 = tpu.vector_load %arg12[%swap3A_97, %swap3A_98] {strides = array<i32>} : memref<2x80xi32, #tpu.memory_space<vmem>>, vector<16xi32>,
    tpu.vector_store %arg12[%swap3A_97, %swap3A_98], %gather3A_95 {strides = array<i32>} : memref<2x80xi32, #tpu.memory_space<vmem>>, vector<16xi32>,
    %shift_right_logical3A_100 = arith.constant 2 : i32
    %shift_right_logical3A_101 = vector.broadcast %shift_right_logical3A_100 : i32 to vector<16xi32>
    %shift_right_logical3A_102 = arith.shrui %gather3A_95, %shift_right_logical3A_101 : vector<16xi32>
    %swap3A_103 = arith.constant 0 : i32
    %swap3A_104 = arith.index_cast %swap3A_103 : i32 to index
    %swap3A_105 = arith.constant 32 : index
    %swap3A_106 = tpu.vector_load %arg13[%swap3A_104, %swap3A_105] {strides = array<i32>} : memref<2x80xi32, #tpu.memory_space<vmem>>, vector<16xi32>,
    tpu.vector_store %arg13[%swap3A_104, %swap3A_105], %shift_right_logical3A_102 {strides = array<i32>} : memref<2x80xi32, #tpu.memory_space<vmem>>, vector<16xi32>,
    %and3A_107 = arith.constant 3 : i32
    %and3A_108 = vector.broadcast %and3A_107 : i32 to vector<16xi32>
    %and3A_109 = arith.andi %gather3A_95, %and3A_108 : vector<16xi32>
    %shift_left3A_110 = arith.constant 5 : i32
    %shift_left3A_111 = vector.broadcast %shift_left3A_110 : i32 to vector<16xi32>
    %shift_left3A_112 = arith.shli %and3A_109, %shift_left3A_111 : vector<16xi32>
    %swap3A_113 = arith.constant 32 : index
    %swap3A_114 = tpu.vector_load %arg14[%swap3A_113] {strides = array<i32>} : memref<160xi32, #tpu.memory_space<vmem>>, vector<16xi32>,
    tpu.vector_store %arg14[%swap3A_113], %shift_left3A_112 {strides = array<i32>} : memref<160xi32, #tpu.memory_space<vmem>>, vector<16xi32>,
    %add3A_115 = arith.constant 48 : i32
    %add3A_116 = vector.broadcast %add3A_115 : i32 to vector<16xi32>
    %add3A_117 = arith.addi %add3A_116, %iota3A : vector<16xi32>
    %div3A_118 = arith.constant 10 : i32
    %div3A_119 = vector.broadcast %div3A_118 : i32 to vector<16xi32>
    %div3A_120 = arith.divsi %add3A_117, %div3A_119 : vector<16xi32>
    %rem3A_121 = arith.constant 10 : i32
    %rem3A_122 = vector.broadcast %rem3A_121 : i32 to vector<16xi32>
    %rem3A_123 = arith.remsi %add3A_117, %rem3A_122 : vector<16xi32>
    %gather3A_124 = tpu.vector_load_idx %arg9[%div3A_120] : memref<16xi32, #tpu.memory_space<vmem>>[vector<16xi32>], vector<16xi32>,
    %add3A_125 = arith.addi %gather3A_124, %rem3A_123 : vector<16xi32>
    %gather3A_126 = tpu.vector_load_idx %arg11[%div3A_120, %add3A_125] : memref<16x128xi32, #tpu.memory_space<vmem>>[vector<16xi32>, vector<16xi32>], vector<16xi32>,
    %swap3A_127 = arith.constant 0 : i32
    %swap3A_128 = arith.index_cast %swap3A_127 : i32 to index
    %swap3A_129 = arith.constant 48 : index
    %swap3A_130 = tpu.vector_load %arg12[%swap3A_128, %swap3A_129] {strides = array<i32>} : memref<2x80xi32, #tpu.memory_space<vmem>>, vector<16xi32>,
    tpu.vector_store %arg12[%swap3A_128, %swap3A_129], %gather3A_126 {strides = array<i32>} : memref<2x80xi32, #tpu.memory_space<vmem>>, vector<16xi32>,
    %shift_right_logical3A_131 = arith.constant 2 : i32
    %shift_right_logical3A_132 = vector.broadcast %shift_right_logical3A_131 : i32 to vector<16xi32>
    %shift_right_logical3A_133 = arith.shrui %gather3A_126, %shift_right_logical3A_132 : vector<16xi32>
    %swap3A_134 = arith.constant 0 : i32
    %swap3A_135 = arith.index_cast %swap3A_134 : i32 to index
    %swap3A_136 = arith.constant 48 : index
    %swap3A_137 = tpu.vector_load %arg13[%swap3A_135, %swap3A_136] {strides = array<i32>} : memref<2x80xi32, #tpu.memory_space<vmem>>, vector<16xi32>,
    tpu.vector_store %arg13[%swap3A_135, %swap3A_136], %shift_right_logical3A_133 {strides = array<i32>} : memref<2x80xi32, #tpu.memory_space<vmem>>, vector<16xi32>,
    %and3A_138 = arith.constant 3 : i32
    %and3A_139 = vector.broadcast %and3A_138 : i32 to vector<16xi32>
    %and3A_140 = arith.andi %gather3A_126, %and3A_139 : vector<16xi32>
    %shift_left3A_141 = arith.constant 5 : i32
    %shift_left3A_142 = vector.broadcast %shift_left3A_141 : i32 to vector<16xi32>
    %shift_left3A_143 = arith.shli %and3A_140, %shift_left3A_142 : vector<16xi32>
    %swap3A_144 = arith.constant 48 : index
    %swap3A_145 = tpu.vector_load %arg14[%swap3A_144] {strides = array<i32>} : memref<160xi32, #tpu.memory_space<vmem>>, vector<16xi32>,
    tpu.vector_store %arg14[%swap3A_144], %shift_left3A_143 {strides = array<i32>} : memref<160xi32, #tpu.memory_space<vmem>>, vector<16xi32>,
    %add3A_146 = arith.constant 64 : i32
    %add3A_147 = vector.broadcast %add3A_146 : i32 to vector<16xi32>
    %add3A_148 = arith.addi %add3A_147, %iota3A : vector<16xi32>
    %div3A_149 = arith.constant 10 : i32
    %div3A_150 = vector.broadcast %div3A_149 : i32 to vector<16xi32>
    %div3A_151 = arith.divsi %add3A_148, %div3A_150 : vector<16xi32>
    %rem3A_152 = arith.constant 10 : i32
    %rem3A_153 = vector.broadcast %rem3A_152 : i32 to vector<16xi32>
    %rem3A_154 = arith.remsi %add3A_148, %rem3A_153 : vector<16xi32>
    %gather3A_155 = tpu.vector_load_idx %arg9[%div3A_151] : memref<16xi32, #tpu.memory_space<vmem>>[vector<16xi32>], vector<16xi32>,
    %add3A_156 = arith.addi %gather3A_155, %rem3A_154 : vector<16xi32>
    %gather3A_157 = tpu.vector_load_idx %arg11[%div3A_151, %add3A_156] : memref<16x128xi32, #tpu.memory_space<vmem>>[vector<16xi32>, vector<16xi32>], vector<16xi32>,
    %swap3A_158 = arith.constant 0 : i32
    %swap3A_159 = arith.index_cast %swap3A_158 : i32 to index
    %swap3A_160 = arith.constant 64 : index
    %swap3A_161 = tpu.vector_load %arg12[%swap3A_159, %swap3A_160] {strides = array<i32>} : memref<2x80xi32, #tpu.memory_space<vmem>>, vector<16xi32>,
    tpu.vector_store %arg12[%swap3A_159, %swap3A_160], %gather3A_157 {strides = array<i32>} : memref<2x80xi32, #tpu.memory_space<vmem>>, vector<16xi32>,
    %shift_right_logical3A_162 = arith.constant 2 : i32
    %shift_right_logical3A_163 = vector.broadcast %shift_right_logical3A_162 : i32 to vector<16xi32>
    %shift_right_logical3A_164 = arith.shrui %gather3A_157, %shift_right_logical3A_163 : vector<16xi32>
    %swap3A_165 = arith.constant 0 : i32
    %swap3A_166 = arith.index_cast %swap3A_165 : i32 to index
    %swap3A_167 = arith.constant 64 : index
    %swap3A_168 = tpu.vector_load %arg13[%swap3A_166, %swap3A_167] {strides = array<i32>} : memref<2x80xi32, #tpu.memory_space<vmem>>, vector<16xi32>,
    tpu.vector_store %arg13[%swap3A_166, %swap3A_167], %shift_right_logical3A_164 {strides = array<i32>} : memref<2x80xi32, #tpu.memory_space<vmem>>, vector<16xi32>,
    %and3A_169 = arith.constant 3 : i32
    %and3A_170 = vector.broadcast %and3A_169 : i32 to vector<16xi32>
    %and3A_171 = arith.andi %gather3A_157, %and3A_170 : vector<16xi32>
    %shift_left3A_172 = arith.constant 5 : i32
    %shift_left3A_173 = vector.broadcast %shift_left3A_172 : i32 to vector<16xi32>
    %shift_left3A_174 = arith.shli %and3A_171, %shift_left3A_173 : vector<16xi32>
    %swap3A_175 = arith.constant 64 : index
    %swap3A_176 = tpu.vector_load %arg14[%swap3A_175] {strides = array<i32>} : memref<160xi32, #tpu.memory_space<vmem>>, vector<16xi32>,
    tpu.vector_store %arg14[%swap3A_175], %shift_left3A_174 {strides = array<i32>} : memref<160xi32, #tpu.memory_space<vmem>>, vector<16xi32>,
    %add3A_177 = arith.constant 80 : i32
    %add3A_178 = vector.broadcast %add3A_177 : i32 to vector<16xi32>
    %add3A_179 = arith.addi %add3A_178, %iota3A : vector<16xi32>
    %div3A_180 = arith.constant 10 : i32
    %div3A_181 = vector.broadcast %div3A_180 : i32 to vector<16xi32>
    %div3A_182 = arith.divsi %add3A_179, %div3A_181 : vector<16xi32>
    %rem3A_183 = arith.constant 10 : i32
    %rem3A_184 = vector.broadcast %rem3A_183 : i32 to vector<16xi32>
    %rem3A_185 = arith.remsi %add3A_179, %rem3A_184 : vector<16xi32>
    %gather3A_186 = tpu.vector_load_idx %arg9[%div3A_182] : memref<16xi32, #tpu.memory_space<vmem>>[vector<16xi32>], vector<16xi32>,
    %add3A_187 = arith.addi %gather3A_186, %rem3A_185 : vector<16xi32>
    %gather3A_188 = tpu.vector_load_idx %arg11[%div3A_182, %add3A_187] : memref<16x128xi32, #tpu.memory_space<vmem>>[vector<16xi32>, vector<16xi32>], vector<16xi32>,
    %swap3A_189 = arith.constant 1 : i32
    %swap3A_190 = arith.index_cast %swap3A_189 : i32 to index
    %swap3A_191 = arith.constant 0 : index
    %swap3A_192 = tpu.vector_load %arg12[%swap3A_190, %swap3A_191] {strides = array<i32>} : memref<2x80xi32, #tpu.memory_space<vmem>>, vector<16xi32>,
    tpu.vector_store %arg12[%swap3A_190, %swap3A_191], %gather3A_188 {strides = array<i32>} : memref<2x80xi32, #tpu.memory_space<vmem>>, vector<16xi32>,
    %shift_right_logical3A_193 = arith.constant 2 : i32
    %shift_right_logical3A_194 = vector.broadcast %shift_right_logical3A_193 : i32 to vector<16xi32>
    %shift_right_logical3A_195 = arith.shrui %gather3A_188, %shift_right_logical3A_194 : vector<16xi32>
    %swap3A_196 = arith.constant 1 : i32
    %swap3A_197 = arith.index_cast %swap3A_196 : i32 to index
    %swap3A_198 = arith.constant 0 : index
    %swap3A_199 = tpu.vector_load %arg13[%swap3A_197, %swap3A_198] {strides = array<i32>} : memref<2x80xi32, #tpu.memory_space<vmem>>, vector<16xi32>,
    tpu.vector_store %arg13[%swap3A_197, %swap3A_198], %shift_right_logical3A_195 {strides = array<i32>} : memref<2x80xi32, #tpu.memory_space<vmem>>, vector<16xi32>,
    %and3A_200 = arith.constant 3 : i32
    %and3A_201 = vector.broadcast %and3A_200 : i32 to vector<16xi32>
    %and3A_202 = arith.andi %gather3A_188, %and3A_201 : vector<16xi32>
    %shift_left3A_203 = arith.constant 5 : i32
    %shift_left3A_204 = vector.broadcast %shift_left3A_203 : i32 to vector<16xi32>
    %shift_left3A_205 = arith.shli %and3A_202, %shift_left3A_204 : vector<16xi32>
    %swap3A_206 = arith.constant 80 : index
    %swap3A_207 = tpu.vector_load %arg14[%swap3A_206] {strides = array<i32>} : memref<160xi32, #tpu.memory_space<vmem>>, vector<16xi32>,
    tpu.vector_store %arg14[%swap3A_206], %shift_left3A_205 {strides = array<i32>} : memref<160xi32, #tpu.memory_space<vmem>>, vector<16xi32>,
    %add3A_208 = arith.constant 96 : i32
    %add3A_209 = vector.broadcast %add3A_208 : i32 to vector<16xi32>
    %add3A_210 = arith.addi %add3A_209, %iota3A : vector<16xi32>
    %div3A_211 = arith.constant 10 : i32
    %div3A_212 = vector.broadcast %div3A_211 : i32 to vector<16xi32>
    %div3A_213 = arith.divsi %add3A_210, %div3A_212 : vector<16xi32>
    %rem3A_214 = arith.constant 10 : i32
    %rem3A_215 = vector.broadcast %rem3A_214 : i32 to vector<16xi32>
    %rem3A_216 = arith.remsi %add3A_210, %rem3A_215 : vector<16xi32>
    %gather3A_217 = tpu.vector_load_idx %arg9[%div3A_213] : memref<16xi32, #tpu.memory_space<vmem>>[vector<16xi32>], vector<16xi32>,
    %add3A_218 = arith.addi %gather3A_217, %rem3A_216 : vector<16xi32>
    %gather3A_219 = tpu.vector_load_idx %arg11[%div3A_213, %add3A_218] : memref<16x128xi32, #tpu.memory_space<vmem>>[vector<16xi32>, vector<16xi32>], vector<16xi32>,
    %swap3A_220 = arith.constant 1 : i32
    %swap3A_221 = arith.index_cast %swap3A_220 : i32 to index
    %swap3A_222 = arith.constant 16 : index
    %swap3A_223 = tpu.vector_load %arg12[%swap3A_221, %swap3A_222] {strides = array<i32>} : memref<2x80xi32, #tpu.memory_space<vmem>>, vector<16xi32>,
    tpu.vector_store %arg12[%swap3A_221, %swap3A_222], %gather3A_219 {strides = array<i32>} : memref<2x80xi32, #tpu.memory_space<vmem>>, vector<16xi32>,
    %shift_right_logical3A_224 = arith.constant 2 : i32
    %shift_right_logical3A_225 = vector.broadcast %shift_right_logical3A_224 : i32 to vector<16xi32>
    %shift_right_logical3A_226 = arith.shrui %gather3A_219, %shift_right_logical3A_225 : vector<16xi32>
    %swap3A_227 = arith.constant 1 : i32
    %swap3A_228 = arith.index_cast %swap3A_227 : i32 to index
    %swap3A_229 = arith.constant 16 : index
    %swap3A_230 = tpu.vector_load %arg13[%swap3A_228, %swap3A_229] {strides = array<i32>} : memref<2x80xi32, #tpu.memory_space<vmem>>, vector<16xi32>,
    tpu.vector_store %arg13[%swap3A_228, %swap3A_229], %shift_right_logical3A_226 {strides = array<i32>} : memref<2x80xi32, #tpu.memory_space<vmem>>, vector<16xi32>,
    %and3A_231 = arith.constant 3 : i32
    %and3A_232 = vector.broadcast %and3A_231 : i32 to vector<16xi32>
    %and3A_233 = arith.andi %gather3A_219, %and3A_232 : vector<16xi32>
    %shift_left3A_234 = arith.constant 5 : i32
    %shift_left3A_235 = vector.broadcast %shift_left3A_234 : i32 to vector<16xi32>
    %shift_left3A_236 = arith.shli %and3A_233, %shift_left3A_235 : vector<16xi32>
    %swap3A_237 = arith.constant 96 : index
    %swap3A_238 = tpu.vector_load %arg14[%swap3A_237] {strides = array<i32>} : memref<160xi32, #tpu.memory_space<vmem>>, vector<16xi32>,
    tpu.vector_store %arg14[%swap3A_237], %shift_left3A_236 {strides = array<i32>} : memref<160xi32, #tpu.memory_space<vmem>>, vector<16xi32>,
    %add3A_239 = arith.constant 112 : i32
    %add3A_240 = vector.broadcast %add3A_239 : i32 to vector<16xi32>
    %add3A_241 = arith.addi %add3A_240, %iota3A : vector<16xi32>
    %div3A_242 = arith.constant 10 : i32
    %div3A_243 = vector.broadcast %div3A_242 : i32 to vector<16xi32>
    %div3A_244 = arith.divsi %add3A_241, %div3A_243 : vector<16xi32>
    %rem3A_245 = arith.constant 10 : i32
    %rem3A_246 = vector.broadcast %rem3A_245 : i32 to vector<16xi32>
    %rem3A_247 = arith.remsi %add3A_241, %rem3A_246 : vector<16xi32>
    %gather3A_248 = tpu.vector_load_idx %arg9[%div3A_244] : memref<16xi32, #tpu.memory_space<vmem>>[vector<16xi32>], vector<16xi32>,
    %add3A_249 = arith.addi %gather3A_248, %rem3A_247 : vector<16xi32>
    %gather3A_250 = tpu.vector_load_idx %arg11[%div3A_244, %add3A_249] : memref<16x128xi32, #tpu.memory_space<vmem>>[vector<16xi32>, vector<16xi32>], vector<16xi32>,
    %swap3A_251 = arith.constant 1 : i32
    %swap3A_252 = arith.index_cast %swap3A_251 : i32 to index
    %swap3A_253 = arith.constant 32 : index
    %swap3A_254 = tpu.vector_load %arg12[%swap3A_252, %swap3A_253] {strides = array<i32>} : memref<2x80xi32, #tpu.memory_space<vmem>>, vector<16xi32>,
    tpu.vector_store %arg12[%swap3A_252, %swap3A_253], %gather3A_250 {strides = array<i32>} : memref<2x80xi32, #tpu.memory_space<vmem>>, vector<16xi32>,
    %shift_right_logical3A_255 = arith.constant 2 : i32
    %shift_right_logical3A_256 = vector.broadcast %shift_right_logical3A_255 : i32 to vector<16xi32>
    %shift_right_logical3A_257 = arith.shrui %gather3A_250, %shift_right_logical3A_256 : vector<16xi32>
    %swap3A_258 = arith.constant 1 : i32
    %swap3A_259 = arith.index_cast %swap3A_258 : i32 to index
    %swap3A_260 = arith.constant 32 : index
    %swap3A_261 = tpu.vector_load %arg13[%swap3A_259, %swap3A_260] {strides = array<i32>} : memref<2x80xi32, #tpu.memory_space<vmem>>, vector<16xi32>,
    tpu.vector_store %arg13[%swap3A_259, %swap3A_260], %shift_right_logical3A_257 {strides = array<i32>} : memref<2x80xi32, #tpu.memory_space<vmem>>, vector<16xi32>,
    %and3A_262 = arith.constant 3 : i32
    %and3A_263 = vector.broadcast %and3A_262 : i32 to vector<16xi32>
    %and3A_264 = arith.andi %gather3A_250, %and3A_263 : vector<16xi32>
    %shift_left3A_265 = arith.constant 5 : i32
    %shift_left3A_266 = vector.broadcast %shift_left3A_265 : i32 to vector<16xi32>
    %shift_left3A_267 = arith.shli %and3A_264, %shift_left3A_266 : vector<16xi32>
    %swap3A_268 = arith.constant 112 : index
    %swap3A_269 = tpu.vector_load %arg14[%swap3A_268] {strides = array<i32>} : memref<160xi32, #tpu.memory_space<vmem>>, vector<16xi32>,
    tpu.vector_store %arg14[%swap3A_268], %shift_left3A_267 {strides = array<i32>} : memref<160xi32, #tpu.memory_space<vmem>>, vector<16xi32>,
    %add3A_270 = arith.constant 128 : i32
    %add3A_271 = vector.broadcast %add3A_270 : i32 to vector<16xi32>
    %add3A_272 = arith.addi %add3A_271, %iota3A : vector<16xi32>
    %div3A_273 = arith.constant 10 : i32
    %div3A_274 = vector.broadcast %div3A_273 : i32 to vector<16xi32>
    %div3A_275 = arith.divsi %add3A_272, %div3A_274 : vector<16xi32>
    %rem3A_276 = arith.constant 10 : i32
    %rem3A_277 = vector.broadcast %rem3A_276 : i32 to vector<16xi32>
    %rem3A_278 = arith.remsi %add3A_272, %rem3A_277 : vector<16xi32>
    %gather3A_279 = tpu.vector_load_idx %arg9[%div3A_275] : memref<16xi32, #tpu.memory_space<vmem>>[vector<16xi32>], vector<16xi32>,
    %add3A_280 = arith.addi %gather3A_279, %rem3A_278 : vector<16xi32>
    %gather3A_281 = tpu.vector_load_idx %arg11[%div3A_275, %add3A_280] : memref<16x128xi32, #tpu.memory_space<vmem>>[vector<16xi32>, vector<16xi32>], vector<16xi32>,
    %swap3A_282 = arith.constant 1 : i32
    %swap3A_283 = arith.index_cast %swap3A_282 : i32 to index
    %swap3A_284 = arith.constant 48 : index
    %swap3A_285 = tpu.vector_load %arg12[%swap3A_283, %swap3A_284] {strides = array<i32>} : memref<2x80xi32, #tpu.memory_space<vmem>>, vector<16xi32>,
    tpu.vector_store %arg12[%swap3A_283, %swap3A_284], %gather3A_281 {strides = array<i32>} : memref<2x80xi32, #tpu.memory_space<vmem>>, vector<16xi32>,
    %shift_right_logical3A_286 = arith.constant 2 : i32
    %shift_right_logical3A_287 = vector.broadcast %shift_right_logical3A_286 : i32 to vector<16xi32>
    %shift_right_logical3A_288 = arith.shrui %gather3A_281, %shift_right_logical3A_287 : vector<16xi32>
    %swap3A_289 = arith.constant 1 : i32
    %swap3A_290 = arith.index_cast %swap3A_289 : i32 to index
    %swap3A_291 = arith.constant 48 : index
    %swap3A_292 = tpu.vector_load %arg13[%swap3A_290, %swap3A_291] {strides = array<i32>} : memref<2x80xi32, #tpu.memory_space<vmem>>, vector<16xi32>,
    tpu.vector_store %arg13[%swap3A_290, %swap3A_291], %shift_right_logical3A_288 {strides = array<i32>} : memref<2x80xi32, #tpu.memory_space<vmem>>, vector<16xi32>,
    %and3A_293 = arith.constant 3 : i32
    %and3A_294 = vector.broadcast %and3A_293 : i32 to vector<16xi32>
    %and3A_295 = arith.andi %gather3A_281, %and3A_294 : vector<16xi32>
    %shift_left3A_296 = arith.constant 5 : i32
    %shift_left3A_297 = vector.broadcast %shift_left3A_296 : i32 to vector<16xi32>
    %shift_left3A_298 = arith.shli %and3A_295, %shift_left3A_297 : vector<16xi32>
    %swap3A_299 = arith.constant 128 : index
    %swap3A_300 = tpu.vector_load %arg14[%swap3A_299] {strides = array<i32>} : memref<160xi32, #tpu.memory_space<vmem>>, vector<16xi32>,
    tpu.vector_store %arg14[%swap3A_299], %shift_left3A_298 {strides = array<i32>} : memref<160xi32, #tpu.memory_space<vmem>>, vector<16xi32>,
    %add3A_301 = arith.constant 144 : i32
    %add3A_302 = vector.broadcast %add3A_301 : i32 to vector<16xi32>
    %add3A_303 = arith.addi %add3A_302, %iota3A : vector<16xi32>
    %div3A_304 = arith.constant 10 : i32
    %div3A_305 = vector.broadcast %div3A_304 : i32 to vector<16xi32>
    %div3A_306 = arith.divsi %add3A_303, %div3A_305 : vector<16xi32>
    %rem3A_307 = arith.constant 10 : i32
    %rem3A_308 = vector.broadcast %rem3A_307 : i32 to vector<16xi32>
    %rem3A_309 = arith.remsi %add3A_303, %rem3A_308 : vector<16xi32>
    %gather3A_310 = tpu.vector_load_idx %arg9[%div3A_306] : memref<16xi32, #tpu.memory_space<vmem>>[vector<16xi32>], vector<16xi32>,
    %add3A_311 = arith.addi %gather3A_310, %rem3A_309 : vector<16xi32>
    %gather3A_312 = tpu.vector_load_idx %arg11[%div3A_306, %add3A_311] : memref<16x128xi32, #tpu.memory_space<vmem>>[vector<16xi32>, vector<16xi32>], vector<16xi32>,
    %swap3A_313 = arith.constant 1 : i32
    %swap3A_314 = arith.index_cast %swap3A_313 : i32 to index
    %swap3A_315 = arith.constant 64 : index
    %swap3A_316 = tpu.vector_load %arg12[%swap3A_314, %swap3A_315] {strides = array<i32>} : memref<2x80xi32, #tpu.memory_space<vmem>>, vector<16xi32>,
    tpu.vector_store %arg12[%swap3A_314, %swap3A_315], %gather3A_312 {strides = array<i32>} : memref<2x80xi32, #tpu.memory_space<vmem>>, vector<16xi32>,
    %shift_right_logical3A_317 = arith.constant 2 : i32
    %shift_right_logical3A_318 = vector.broadcast %shift_right_logical3A_317 : i32 to vector<16xi32>
    %shift_right_logical3A_319 = arith.shrui %gather3A_312, %shift_right_logical3A_318 : vector<16xi32>
    %swap3A_320 = arith.constant 1 : i32
    %swap3A_321 = arith.index_cast %swap3A_320 : i32 to index
    %swap3A_322 = arith.constant 64 : index
    %swap3A_323 = tpu.vector_load %arg13[%swap3A_321, %swap3A_322] {strides = array<i32>} : memref<2x80xi32, #tpu.memory_space<vmem>>, vector<16xi32>,
    tpu.vector_store %arg13[%swap3A_321, %swap3A_322], %shift_right_logical3A_319 {strides = array<i32>} : memref<2x80xi32, #tpu.memory_space<vmem>>, vector<16xi32>,
    %and3A_324 = arith.constant 3 : i32
    %and3A_325 = vector.broadcast %and3A_324 : i32 to vector<16xi32>
    %and3A_326 = arith.andi %gather3A_312, %and3A_325 : vector<16xi32>
    %shift_left3A_327 = arith.constant 5 : i32
    %shift_left3A_328 = vector.broadcast %shift_left3A_327 : i32 to vector<16xi32>
    %shift_left3A_329 = arith.shli %and3A_326, %shift_left3A_328 : vector<16xi32>
    %swap3A_330 = arith.constant 144 : index
    %swap3A_331 = tpu.vector_load %arg14[%swap3A_330] {strides = array<i32>} : memref<160xi32, #tpu.memory_space<vmem>>, vector<16xi32>,
    tpu.vector_store %arg14[%swap3A_330], %shift_left3A_329 {strides = array<i32>} : memref<160xi32, #tpu.memory_space<vmem>>, vector<16xi32>,
    %dma_start3A_332 = arith.constant 0 : i32
    %dma_start3A_333 = arith.constant 0 : i32
    %dma_start3A_334 = arith.constant 0 : i32
    %dma_start3A_335 = tpu.memref_slice %arg18[%dma_start3A_333, %dma_start3A_334] : memref<160x128xf32, #tpu.memory_space<vmem>> -> memref<80x128xf32, #tpu.memory_space<vmem>>
    %dma_start3A_336 = arith.constant 0 : i32
    %dma_start3A_337 = tpu.memref_slice %arg12[%dma_start3A_332, %dma_start3A_336] : memref<2x80xi32, #tpu.memory_space<vmem>> -> memref<1x80xi32, #tpu.memory_space<vmem>>
    %dma_start3A_338 = tpu.memref_squeeze %dma_start3A_337 : memref<1x80xi32, #tpu.memory_space<vmem>> -> memref<80xi32, #tpu.memory_space<vmem>>
    %dma_start3A_339 = arith.constant 0 : i32
    %dma_start3A_340 = arith.constant 0 : i32
    %dma_start3A_341 = tpu.memref_slice %arg2[%dma_start3A_339, %dma_start3A_340] : memref<100000x128xf32, #tpu.memory_space<hbm>> -> memref<100000x128xf32, #tpu.memory_space<hbm>>
    tpu.enqueue_indirect_dma source(%dma_start3A_341 : memref<100000x128xf32, #tpu.memory_space<hbm>>) target(%dma_start3A_335 : memref<80x128xf32, #tpu.memory_space<vmem>>) offsets(%dma_start3A_338 : memref<80xi32, #tpu.memory_space<vmem>>) semaphore(%arg21 : memref<!tpu.dma_semaphore, #tpu.memory_space<semaphore_mem>>)
    %dma_start3A_342 = arith.constant 0 : i32
    %dma_start3A_343 = arith.constant 0 : i32
    %dma_start3A_344 = arith.constant 0 : i32
    %dma_start3A_345 = tpu.memref_slice %arg15[%dma_start3A_343, %dma_start3A_344] : memref<160x128xi32, #tpu.memory_space<vmem>> -> memref<80x128xi32, #tpu.memory_space<vmem>>
    %dma_start3A_346 = arith.constant 0 : i32
    %dma_start3A_347 = tpu.memref_slice %arg13[%dma_start3A_342, %dma_start3A_346] : memref<2x80xi32, #tpu.memory_space<vmem>> -> memref<1x80xi32, #tpu.memory_space<vmem>>
    %dma_start3A_348 = tpu.memref_squeeze %dma_start3A_347 : memref<1x80xi32, #tpu.memory_space<vmem>> -> memref<80xi32, #tpu.memory_space<vmem>>
    %dma_start3A_349 = arith.constant 0 : i32
    %dma_start3A_350 = arith.constant 0 : i32
    %dma_start3A_351 = tpu.memref_slice %arg3[%dma_start3A_349, %dma_start3A_350] : memref<25000x128xi32, #tpu.memory_space<hbm>> -> memref<25000x128xi32, #tpu.memory_space<hbm>>
    tpu.enqueue_indirect_dma source(%dma_start3A_351 : memref<25000x128xi32, #tpu.memory_space<hbm>>) target(%dma_start3A_345 : memref<80x128xi32, #tpu.memory_space<vmem>>) offsets(%dma_start3A_348 : memref<80xi32, #tpu.memory_space<vmem>>) semaphore(%arg21 : memref<!tpu.dma_semaphore, #tpu.memory_space<semaphore_mem>>)
    %dma_start3A_352 = arith.constant 1 : i32
    %dma_start3A_353 = arith.constant 80 : i32
    %dma_start3A_354 = arith.constant 0 : i32
    %dma_start3A_355 = tpu.memref_slice %arg18[%dma_start3A_353, %dma_start3A_354] : memref<160x128xf32, #tpu.memory_space<vmem>> -> memref<80x128xf32, #tpu.memory_space<vmem>>
    %dma_start3A_356 = arith.constant 0 : i32
    %dma_start3A_357 = tpu.memref_slice %arg12[%dma_start3A_352, %dma_start3A_356] : memref<2x80xi32, #tpu.memory_space<vmem>> -> memref<1x80xi32, #tpu.memory_space<vmem>>
    %dma_start3A_358 = tpu.memref_squeeze %dma_start3A_357 : memref<1x80xi32, #tpu.memory_space<vmem>> -> memref<80xi32, #tpu.memory_space<vmem>>
    %dma_start3A_359 = arith.constant 0 : i32
    %dma_start3A_360 = arith.constant 0 : i32
    %dma_start3A_361 = tpu.memref_slice %arg2[%dma_start3A_359, %dma_start3A_360] : memref<100000x128xf32, #tpu.memory_space<hbm>> -> memref<100000x128xf32, #tpu.memory_space<hbm>>
    tpu.enqueue_indirect_dma source(%dma_start3A_361 : memref<100000x128xf32, #tpu.memory_space<hbm>>) target(%dma_start3A_355 : memref<80x128xf32, #tpu.memory_space<vmem>>) offsets(%dma_start3A_358 : memref<80xi32, #tpu.memory_space<vmem>>) semaphore(%arg21 : memref<!tpu.dma_semaphore, #tpu.memory_space<semaphore_mem>>)
    %dma_start3A_362 = arith.constant 1 : i32
    %dma_start3A_363 = arith.constant 80 : i32
    %dma_start3A_364 = arith.constant 0 : i32
    %dma_start3A_365 = tpu.memref_slice %arg15[%dma_start3A_363, %dma_start3A_364] : memref<160x128xi32, #tpu.memory_space<vmem>> -> memref<80x128xi32, #tpu.memory_space<vmem>>
    %dma_start3A_366 = arith.constant 0 : i32
    %dma_start3A_367 = tpu.memref_slice %arg13[%dma_start3A_362, %dma_start3A_366] : memref<2x80xi32, #tpu.memory_space<vmem>> -> memref<1x80xi32, #tpu.memory_space<vmem>>
    %dma_start3A_368 = tpu.memref_squeeze %dma_start3A_367 : memref<1x80xi32, #tpu.memory_space<vmem>> -> memref<80xi32, #tpu.memory_space<vmem>>
    %dma_start3A_369 = arith.constant 0 : i32
    %dma_start3A_370 = arith.constant 0 : i32
    %dma_start3A_371 = tpu.memref_slice %arg3[%dma_start3A_369, %dma_start3A_370] : memref<25000x128xi32, #tpu.memory_space<hbm>> -> memref<25000x128xi32, #tpu.memory_space<hbm>>
    tpu.enqueue_indirect_dma source(%dma_start3A_371 : memref<25000x128xi32, #tpu.memory_space<hbm>>) target(%dma_start3A_365 : memref<80x128xi32, #tpu.memory_space<vmem>>) offsets(%dma_start3A_368 : memref<80xi32, #tpu.memory_space<vmem>>) semaphore(%arg21 : memref<!tpu.dma_semaphore, #tpu.memory_space<semaphore_mem>>)
    %dma_wait3A_372 = arith.constant 0 : i32
    %dma_wait3A_373 = arith.constant 0 : i32
    %dma_wait3A_374 = arith.constant 0 : i32
    %dma_wait3A_375 = tpu.memref_slice %arg18[%dma_wait3A_373, %dma_wait3A_374] : memref<160x128xf32, #tpu.memory_space<vmem>> -> memref<80x128xf32, #tpu.memory_space<vmem>>
    %dma_wait3A_376 = arith.constant 0 : i32
    %dma_wait3A_377 = tpu.memref_slice %arg12[%dma_wait3A_372, %dma_wait3A_376] : memref<2x80xi32, #tpu.memory_space<vmem>> -> memref<1x80xi32, #tpu.memory_space<vmem>>
    %dma_wait3A_378 = tpu.memref_squeeze %dma_wait3A_377 : memref<1x80xi32, #tpu.memory_space<vmem>> -> memref<80xi32, #tpu.memory_space<vmem>>
    %dma_wait3A_379 = arith.constant 0 : i32
    %dma_wait3A_380 = arith.constant 0 : i32
    %dma_wait3A_381 = tpu.memref_slice %arg2[%dma_wait3A_379, %dma_wait3A_380] : memref<100000x128xf32, #tpu.memory_space<hbm>> -> memref<100000x128xf32, #tpu.memory_space<hbm>>
    tpu.wait_indirect_dma semaphore(%arg21 : memref<!tpu.dma_semaphore, #tpu.memory_space<semaphore_mem>>) src(%dma_wait3A_381 : memref<100000x128xf32, #tpu.memory_space<hbm>>) dst(%dma_wait3A_375 : memref<80x128xf32, #tpu.memory_space<vmem>>)
    %dma_wait3A_382 = arith.constant 0 : i32
    %dma_wait3A_383 = arith.constant 0 : i32
    %dma_wait3A_384 = arith.constant 0 : i32
    %dma_wait3A_385 = tpu.memref_slice %arg15[%dma_wait3A_383, %dma_wait3A_384] : memref<160x128xi32, #tpu.memory_space<vmem>> -> memref<80x128xi32, #tpu.memory_space<vmem>>
    %dma_wait3A_386 = arith.constant 0 : i32
    %dma_wait3A_387 = tpu.memref_slice %arg13[%dma_wait3A_382, %dma_wait3A_386] : memref<2x80xi32, #tpu.memory_space<vmem>> -> memref<1x80xi32, #tpu.memory_space<vmem>>
    %dma_wait3A_388 = tpu.memref_squeeze %dma_wait3A_387 : memref<1x80xi32, #tpu.memory_space<vmem>> -> memref<80xi32, #tpu.memory_space<vmem>>
    %dma_wait3A_389 = arith.constant 0 : i32
    %dma_wait3A_390 = arith.constant 0 : i32
    %dma_wait3A_391 = tpu.memref_slice %arg3[%dma_wait3A_389, %dma_wait3A_390] : memref<25000x128xi32, #tpu.memory_space<hbm>> -> memref<25000x128xi32, #tpu.memory_space<hbm>>
    tpu.wait_indirect_dma semaphore(%arg21 : memref<!tpu.dma_semaphore, #tpu.memory_space<semaphore_mem>>) src(%dma_wait3A_391 : memref<25000x128xi32, #tpu.memory_space<hbm>>) dst(%dma_wait3A_385 : memref<80x128xi32, #tpu.memory_space<vmem>>)
    %dma_wait3A_392 = arith.constant 1 : i32
    %dma_wait3A_393 = arith.constant 80 : i32
    %dma_wait3A_394 = arith.constant 0 : i32
    %dma_wait3A_395 = tpu.memref_slice %arg18[%dma_wait3A_393, %dma_wait3A_394] : memref<160x128xf32, #tpu.memory_space<vmem>> -> memref<80x128xf32, #tpu.memory_space<vmem>>
    %dma_wait3A_396 = arith.constant 0 : i32
    %dma_wait3A_397 = tpu.memref_slice %arg12[%dma_wait3A_392, %dma_wait3A_396] : memref<2x80xi32, #tpu.memory_space<vmem>> -> memref<1x80xi32, #tpu.memory_space<vmem>>
    %dma_wait3A_398 = tpu.memref_squeeze %dma_wait3A_397 : memref<1x80xi32, #tpu.memory_space<vmem>> -> memref<80xi32, #tpu.memory_space<vmem>>
    %dma_wait3A_399 = arith.constant 0 : i32
    %dma_wait3A_400 = arith.constant 0 : i32
    %dma_wait3A_401 = tpu.memref_slice %arg2[%dma_wait3A_399, %dma_wait3A_400] : memref<100000x128xf32, #tpu.memory_space<hbm>> -> memref<100000x128xf32, #tpu.memory_space<hbm>>
    tpu.wait_indirect_dma semaphore(%arg21 : memref<!tpu.dma_semaphore, #tpu.memory_space<semaphore_mem>>) src(%dma_wait3A_401 : memref<100000x128xf32, #tpu.memory_space<hbm>>) dst(%dma_wait3A_395 : memref<80x128xf32, #tpu.memory_space<vmem>>)
    %dma_wait3A_402 = arith.constant 1 : i32
    %dma_wait3A_403 = arith.constant 80 : i32
    %dma_wait3A_404 = arith.constant 0 : i32
    %dma_wait3A_405 = tpu.memref_slice %arg15[%dma_wait3A_403, %dma_wait3A_404] : memref<160x128xi32, #tpu.memory_space<vmem>> -> memref<80x128xi32, #tpu.memory_space<vmem>>
    %dma_wait3A_406 = arith.constant 0 : i32
    %dma_wait3A_407 = tpu.memref_slice %arg13[%dma_wait3A_402, %dma_wait3A_406] : memref<2x80xi32, #tpu.memory_space<vmem>> -> memref<1x80xi32, #tpu.memory_space<vmem>>
    %dma_wait3A_408 = tpu.memref_squeeze %dma_wait3A_407 : memref<1x80xi32, #tpu.memory_space<vmem>> -> memref<80xi32, #tpu.memory_space<vmem>>
    %dma_wait3A_409 = arith.constant 0 : i32
    %dma_wait3A_410 = arith.constant 0 : i32
    %dma_wait3A_411 = tpu.memref_slice %arg3[%dma_wait3A_409, %dma_wait3A_410] : memref<25000x128xi32, #tpu.memory_space<hbm>> -> memref<25000x128xi32, #tpu.memory_space<hbm>>
    tpu.wait_indirect_dma semaphore(%arg21 : memref<!tpu.dma_semaphore, #tpu.memory_space<semaphore_mem>>) src(%dma_wait3A_411 : memref<25000x128xi32, #tpu.memory_space<hbm>>) dst(%dma_wait3A_405 : memref<80x128xi32, #tpu.memory_space<vmem>>)
    "tpu.region"() ({
      %run_scoped3A = tpu.sem_alloc : memref<!tpu.dma_semaphore, #tpu.memory_space<semaphore_mem>>
      %dma_start3A_417 = arith.constant 0 : i32
      %dma_start3A_418 = tpu.memref_slice %arg5[%mul3A_2, %dma_start3A_417] : memref<512x128xf32, #tpu.memory_space<hbm>> -> memref<16x128xf32, #tpu.memory_space<hbm>>
      %dma_start3A_419 = arith.constant 0 : i32
      %dma_start3A_420 = tpu.memref_slice %arg5[%mul3A_2, %dma_start3A_419] : memref<512x128xf32, #tpu.memory_space<hbm>> -> memref<16x128xf32, #tpu.memory_space<hbm>>
      tpu.enqueue_dma source(%arg17 : memref<16x128xf32, #tpu.memory_space<vmem>>) target(%dma_start3A_420 : memref<16x128xf32, #tpu.memory_space<hbm>>) target_semaphore(%run_scoped3A : memref<!tpu.dma_semaphore, #tpu.memory_space<semaphore_mem>>)
      %dma_wait3A_421 = arith.constant 0 : i32
      %dma_wait3A_422 = tpu.memref_slice %arg5[%mul3A_2, %dma_wait3A_421] : memref<512x128xf32, #tpu.memory_space<hbm>> -> memref<16x128xf32, #tpu.memory_space<hbm>>
      %dma_wait3A_423 = arith.constant 0 : i32
      %dma_wait3A_424 = tpu.memref_slice %arg5[%mul3A_2, %dma_wait3A_423] : memref<512x128xf32, #tpu.memory_space<hbm>> -> memref<16x128xf32, #tpu.memory_space<hbm>>
      tpu.wait_dma2 semaphore(%run_scoped3A : memref<!tpu.dma_semaphore, #tpu.memory_space<semaphore_mem>>) src(%arg17 : memref<16x128xf32, #tpu.memory_space<vmem>>) dst(%dma_wait3A_424 : memref<16x128xf32, #tpu.memory_space<hbm>>)
      tpu.yield
    }) : () -> ()
    "tpu.region"() ({
      %run_scoped3A = tpu.sem_alloc : memref<!tpu.dma_semaphore, #tpu.memory_space<semaphore_mem>>
      %dma_start3A_417 = arith.constant 0 : i32
      %dma_start3A_418 = tpu.memref_slice %arg6[%mul3A_4, %dma_start3A_417] : memref<5120x128xf32, #tpu.memory_space<hbm>> -> memref<160x128xf32, #tpu.memory_space<hbm>>
      %dma_start3A_419 = arith.constant 0 : i32
      %dma_start3A_420 = tpu.memref_slice %arg6[%mul3A_4, %dma_start3A_419] : memref<5120x128xf32, #tpu.memory_space<hbm>> -> memref<160x128xf32, #tpu.memory_space<hbm>>
      tpu.enqueue_dma source(%arg18 : memref<160x128xf32, #tpu.memory_space<vmem>>) target(%dma_start3A_420 : memref<160x128xf32, #tpu.memory_space<hbm>>) target_semaphore(%run_scoped3A : memref<!tpu.dma_semaphore, #tpu.memory_space<semaphore_mem>>)
      %dma_wait3A_421 = arith.constant 0 : i32
      %dma_wait3A_422 = tpu.memref_slice %arg6[%mul3A_4, %dma_wait3A_421] : memref<5120x128xf32, #tpu.memory_space<hbm>> -> memref<160x128xf32, #tpu.memory_space<hbm>>
      %dma_wait3A_423 = arith.constant 0 : i32
      %dma_wait3A_424 = tpu.memref_slice %arg6[%mul3A_4, %dma_wait3A_423] : memref<5120x128xf32, #tpu.memory_space<hbm>> -> memref<160x128xf32, #tpu.memory_space<hbm>>
      tpu.wait_dma2 semaphore(%run_scoped3A : memref<!tpu.dma_semaphore, #tpu.memory_space<semaphore_mem>>) src(%arg18 : memref<160x128xf32, #tpu.memory_space<vmem>>) dst(%dma_wait3A_424 : memref<160x128xf32, #tpu.memory_space<hbm>>)
      tpu.yield
    }) : () -> ()
    %scan3A = arith.constant 0 : i32
    %scan3A_412 = arith.constant 0 : i32
    %scan3A_413 = arith.constant 32 : i32
    %scan3A_414 = arith.addi %scan3A_412, %scan3A_413 : i32
    %scan3A_415 = arith.constant 1 : i32
    scf.for %scan3A_417 = %scan3A_412 to %scan3A_414 step %scan3A_415  : i32 {
      %add3A_418 = arith.constant 0 : i32
      %add3A_419 = vector.broadcast %add3A_418 : i32 to vector<16xi32>
      %add3A_420 = arith.addi %add3A_419, %iota3A : vector<16xi32>
      %div3A_421 = arith.constant 25 : i32
      %div3A_422 = vector.broadcast %div3A_421 : i32 to vector<16xi32>
      %div3A_423 = arith.divsi %add3A_420, %div3A_422 : vector<16xi32>
      %min3A = arith.constant 4 : i32
      %min3A_424 = vector.broadcast %min3A : i32 to vector<16xi32>
      %min3A_425 = arith.minsi %div3A_423, %min3A_424 : vector<16xi32>
      %rem3A_426 = arith.constant 25 : i32
      %rem3A_427 = vector.broadcast %rem3A_426 : i32 to vector<16xi32>
      %rem3A_428 = arith.remsi %add3A_420, %rem3A_427 : vector<16xi32>
      %mul3A_429 = arith.constant 5 : i32
      %mul3A_430 = arith.muli %scan3A_417, %mul3A_429 : i32
      %add3A_431 = vector.broadcast %mul3A_430 : i32 to vector<16xi32>
      %add3A_432 = arith.addi %add3A_431, %min3A_425 : vector<16xi32>
      %gather3A_433 = tpu.vector_load_idx %arg14[%add3A_432] : memref<160xi32, #tpu.memory_space<vmem>>[vector<16xi32>], vector<16xi32>,
      %add3A_434 = arith.addi %gather3A_433, %rem3A_428 : vector<16xi32>
      %gather3A_435 = tpu.vector_load_idx %arg15[%add3A_432, %add3A_434] : memref<160x128xi32, #tpu.memory_space<vmem>>[vector<16xi32>, vector<16xi32>], vector<16xi32>,
      %swap3A_436 = arith.constant 0 : i32
      %swap3A_437 = arith.index_cast %swap3A_436 : i32 to index
      %swap3A_438 = arith.constant 0 : index
      %swap3A_439 = tpu.vector_load %arg16[%swap3A_437, %swap3A_438] {strides = array<i32>} : memref<2x128xi32, #tpu.memory_space<vmem>>, vector<16xi32>,
      tpu.vector_store %arg16[%swap3A_437, %swap3A_438], %gather3A_435 {strides = array<i32>} : memref<2x128xi32, #tpu.memory_space<vmem>>, vector<16xi32>,
      %add3A_440 = arith.constant 16 : i32
      %add3A_441 = vector.broadcast %add3A_440 : i32 to vector<16xi32>
      %add3A_442 = arith.addi %add3A_441, %iota3A : vector<16xi32>
      %div3A_443 = arith.constant 25 : i32
      %div3A_444 = vector.broadcast %div3A_443 : i32 to vector<16xi32>
      %div3A_445 = arith.divsi %add3A_442, %div3A_444 : vector<16xi32>
      %min3A_446 = arith.constant 4 : i32
      %min3A_447 = vector.broadcast %min3A_446 : i32 to vector<16xi32>
      %min3A_448 = arith.minsi %div3A_445, %min3A_447 : vector<16xi32>
      %rem3A_449 = arith.constant 25 : i32
      %rem3A_450 = vector.broadcast %rem3A_449 : i32 to vector<16xi32>
      %rem3A_451 = arith.remsi %add3A_442, %rem3A_450 : vector<16xi32>
      %mul3A_452 = arith.constant 5 : i32
      %mul3A_453 = arith.muli %scan3A_417, %mul3A_452 : i32
      %add3A_454 = vector.broadcast %mul3A_453 : i32 to vector<16xi32>
      %add3A_455 = arith.addi %add3A_454, %min3A_448 : vector<16xi32>
      %gather3A_456 = tpu.vector_load_idx %arg14[%add3A_455] : memref<160xi32, #tpu.memory_space<vmem>>[vector<16xi32>], vector<16xi32>,
      %add3A_457 = arith.addi %gather3A_456, %rem3A_451 : vector<16xi32>
      %gather3A_458 = tpu.vector_load_idx %arg15[%add3A_455, %add3A_457] : memref<160x128xi32, #tpu.memory_space<vmem>>[vector<16xi32>, vector<16xi32>], vector<16xi32>,
      %swap3A_459 = arith.constant 0 : i32
      %swap3A_460 = arith.index_cast %swap3A_459 : i32 to index
      %swap3A_461 = arith.constant 16 : index
      %swap3A_462 = tpu.vector_load %arg16[%swap3A_460, %swap3A_461] {strides = array<i32>} : memref<2x128xi32, #tpu.memory_space<vmem>>, vector<16xi32>,
      tpu.vector_store %arg16[%swap3A_460, %swap3A_461], %gather3A_458 {strides = array<i32>} : memref<2x128xi32, #tpu.memory_space<vmem>>, vector<16xi32>,
      %add3A_463 = arith.constant 32 : i32
      %add3A_464 = vector.broadcast %add3A_463 : i32 to vector<16xi32>
      %add3A_465 = arith.addi %add3A_464, %iota3A : vector<16xi32>
      %div3A_466 = arith.constant 25 : i32
      %div3A_467 = vector.broadcast %div3A_466 : i32 to vector<16xi32>
      %div3A_468 = arith.divsi %add3A_465, %div3A_467 : vector<16xi32>
      %min3A_469 = arith.constant 4 : i32
      %min3A_470 = vector.broadcast %min3A_469 : i32 to vector<16xi32>
      %min3A_471 = arith.minsi %div3A_468, %min3A_470 : vector<16xi32>
      %rem3A_472 = arith.constant 25 : i32
      %rem3A_473 = vector.broadcast %rem3A_472 : i32 to vector<16xi32>
      %rem3A_474 = arith.remsi %add3A_465, %rem3A_473 : vector<16xi32>
      %mul3A_475 = arith.constant 5 : i32
      %mul3A_476 = arith.muli %scan3A_417, %mul3A_475 : i32
      %add3A_477 = vector.broadcast %mul3A_476 : i32 to vector<16xi32>
      %add3A_478 = arith.addi %add3A_477, %min3A_471 : vector<16xi32>
      %gather3A_479 = tpu.vector_load_idx %arg14[%add3A_478] : memref<160xi32, #tpu.memory_space<vmem>>[vector<16xi32>], vector<16xi32>,
      %add3A_480 = arith.addi %gather3A_479, %rem3A_474 : vector<16xi32>
      %gather3A_481 = tpu.vector_load_idx %arg15[%add3A_478, %add3A_480] : memref<160x128xi32, #tpu.memory_space<vmem>>[vector<16xi32>, vector<16xi32>], vector<16xi32>,
      %swap3A_482 = arith.constant 0 : i32
      %swap3A_483 = arith.index_cast %swap3A_482 : i32 to index
      %swap3A_484 = arith.constant 32 : index
      %swap3A_485 = tpu.vector_load %arg16[%swap3A_483, %swap3A_484] {strides = array<i32>} : memref<2x128xi32, #tpu.memory_space<vmem>>, vector<16xi32>,
      tpu.vector_store %arg16[%swap3A_483, %swap3A_484], %gather3A_481 {strides = array<i32>} : memref<2x128xi32, #tpu.memory_space<vmem>>, vector<16xi32>,
      %add3A_486 = arith.constant 48 : i32
      %add3A_487 = vector.broadcast %add3A_486 : i32 to vector<16xi32>
      %add3A_488 = arith.addi %add3A_487, %iota3A : vector<16xi32>
      %div3A_489 = arith.constant 25 : i32
      %div3A_490 = vector.broadcast %div3A_489 : i32 to vector<16xi32>
      %div3A_491 = arith.divsi %add3A_488, %div3A_490 : vector<16xi32>
      %min3A_492 = arith.constant 4 : i32
      %min3A_493 = vector.broadcast %min3A_492 : i32 to vector<16xi32>
      %min3A_494 = arith.minsi %div3A_491, %min3A_493 : vector<16xi32>
      %rem3A_495 = arith.constant 25 : i32
      %rem3A_496 = vector.broadcast %rem3A_495 : i32 to vector<16xi32>
      %rem3A_497 = arith.remsi %add3A_488, %rem3A_496 : vector<16xi32>
      %mul3A_498 = arith.constant 5 : i32
      %mul3A_499 = arith.muli %scan3A_417, %mul3A_498 : i32
      %add3A_500 = vector.broadcast %mul3A_499 : i32 to vector<16xi32>
      %add3A_501 = arith.addi %add3A_500, %min3A_494 : vector<16xi32>
      %gather3A_502 = tpu.vector_load_idx %arg14[%add3A_501] : memref<160xi32, #tpu.memory_space<vmem>>[vector<16xi32>], vector<16xi32>,
      %add3A_503 = arith.addi %gather3A_502, %rem3A_497 : vector<16xi32>
      %gather3A_504 = tpu.vector_load_idx %arg15[%add3A_501, %add3A_503] : memref<160x128xi32, #tpu.memory_space<vmem>>[vector<16xi32>, vector<16xi32>], vector<16xi32>,
      %swap3A_505 = arith.constant 0 : i32
      %swap3A_506 = arith.index_cast %swap3A_505 : i32 to index
      %swap3A_507 = arith.constant 48 : index
      %swap3A_508 = tpu.vector_load %arg16[%swap3A_506, %swap3A_507] {strides = array<i32>} : memref<2x128xi32, #tpu.memory_space<vmem>>, vector<16xi32>,
      tpu.vector_store %arg16[%swap3A_506, %swap3A_507], %gather3A_504 {strides = array<i32>} : memref<2x128xi32, #tpu.memory_space<vmem>>, vector<16xi32>,
      %add3A_509 = arith.constant 64 : i32
      %add3A_510 = vector.broadcast %add3A_509 : i32 to vector<16xi32>
      %add3A_511 = arith.addi %add3A_510, %iota3A : vector<16xi32>
      %div3A_512 = arith.constant 25 : i32
      %div3A_513 = vector.broadcast %div3A_512 : i32 to vector<16xi32>
      %div3A_514 = arith.divsi %add3A_511, %div3A_513 : vector<16xi32>
      %min3A_515 = arith.constant 4 : i32
      %min3A_516 = vector.broadcast %min3A_515 : i32 to vector<16xi32>
      %min3A_517 = arith.minsi %div3A_514, %min3A_516 : vector<16xi32>
      %rem3A_518 = arith.constant 25 : i32
      %rem3A_519 = vector.broadcast %rem3A_518 : i32 to vector<16xi32>
      %rem3A_520 = arith.remsi %add3A_511, %rem3A_519 : vector<16xi32>
      %mul3A_521 = arith.constant 5 : i32
      %mul3A_522 = arith.muli %scan3A_417, %mul3A_521 : i32
      %add3A_523 = vector.broadcast %mul3A_522 : i32 to vector<16xi32>
      %add3A_524 = arith.addi %add3A_523, %min3A_517 : vector<16xi32>
      %gather3A_525 = tpu.vector_load_idx %arg14[%add3A_524] : memref<160xi32, #tpu.memory_space<vmem>>[vector<16xi32>], vector<16xi32>,
      %add3A_526 = arith.addi %gather3A_525, %rem3A_520 : vector<16xi32>
      %gather3A_527 = tpu.vector_load_idx %arg15[%add3A_524, %add3A_526] : memref<160x128xi32, #tpu.memory_space<vmem>>[vector<16xi32>, vector<16xi32>], vector<16xi32>,
      %swap3A_528 = arith.constant 0 : i32
      %swap3A_529 = arith.index_cast %swap3A_528 : i32 to index
      %swap3A_530 = arith.constant 64 : index
      %swap3A_531 = tpu.vector_load %arg16[%swap3A_529, %swap3A_530] {strides = array<i32>} : memref<2x128xi32, #tpu.memory_space<vmem>>, vector<16xi32>,
      tpu.vector_store %arg16[%swap3A_529, %swap3A_530], %gather3A_527 {strides = array<i32>} : memref<2x128xi32, #tpu.memory_space<vmem>>, vector<16xi32>,
      %add3A_532 = arith.constant 80 : i32
      %add3A_533 = vector.broadcast %add3A_532 : i32 to vector<16xi32>
      %add3A_534 = arith.addi %add3A_533, %iota3A : vector<16xi32>
      %div3A_535 = arith.constant 25 : i32
      %div3A_536 = vector.broadcast %div3A_535 : i32 to vector<16xi32>
      %div3A_537 = arith.divsi %add3A_534, %div3A_536 : vector<16xi32>
      %min3A_538 = arith.constant 4 : i32
      %min3A_539 = vector.broadcast %min3A_538 : i32 to vector<16xi32>
      %min3A_540 = arith.minsi %div3A_537, %min3A_539 : vector<16xi32>
      %rem3A_541 = arith.constant 25 : i32
      %rem3A_542 = vector.broadcast %rem3A_541 : i32 to vector<16xi32>
      %rem3A_543 = arith.remsi %add3A_534, %rem3A_542 : vector<16xi32>
      %mul3A_544 = arith.constant 5 : i32
      %mul3A_545 = arith.muli %scan3A_417, %mul3A_544 : i32
      %add3A_546 = vector.broadcast %mul3A_545 : i32 to vector<16xi32>
      %add3A_547 = arith.addi %add3A_546, %min3A_540 : vector<16xi32>
      %gather3A_548 = tpu.vector_load_idx %arg14[%add3A_547] : memref<160xi32, #tpu.memory_space<vmem>>[vector<16xi32>], vector<16xi32>,
      %add3A_549 = arith.addi %gather3A_548, %rem3A_543 : vector<16xi32>
      %gather3A_550 = tpu.vector_load_idx %arg15[%add3A_547, %add3A_549] : memref<160x128xi32, #tpu.memory_space<vmem>>[vector<16xi32>, vector<16xi32>], vector<16xi32>,
      %swap3A_551 = arith.constant 0 : i32
      %swap3A_552 = arith.index_cast %swap3A_551 : i32 to index
      %swap3A_553 = arith.constant 80 : index
      %swap3A_554 = tpu.vector_load %arg16[%swap3A_552, %swap3A_553] {strides = array<i32>} : memref<2x128xi32, #tpu.memory_space<vmem>>, vector<16xi32>,
      tpu.vector_store %arg16[%swap3A_552, %swap3A_553], %gather3A_550 {strides = array<i32>} : memref<2x128xi32, #tpu.memory_space<vmem>>, vector<16xi32>,
      %add3A_555 = arith.constant 96 : i32
      %add3A_556 = vector.broadcast %add3A_555 : i32 to vector<16xi32>
      %add3A_557 = arith.addi %add3A_556, %iota3A : vector<16xi32>
      %div3A_558 = arith.constant 25 : i32
      %div3A_559 = vector.broadcast %div3A_558 : i32 to vector<16xi32>
      %div3A_560 = arith.divsi %add3A_557, %div3A_559 : vector<16xi32>
      %min3A_561 = arith.constant 4 : i32
      %min3A_562 = vector.broadcast %min3A_561 : i32 to vector<16xi32>
      %min3A_563 = arith.minsi %div3A_560, %min3A_562 : vector<16xi32>
      %rem3A_564 = arith.constant 25 : i32
      %rem3A_565 = vector.broadcast %rem3A_564 : i32 to vector<16xi32>
      %rem3A_566 = arith.remsi %add3A_557, %rem3A_565 : vector<16xi32>
      %mul3A_567 = arith.constant 5 : i32
      %mul3A_568 = arith.muli %scan3A_417, %mul3A_567 : i32
      %add3A_569 = vector.broadcast %mul3A_568 : i32 to vector<16xi32>
      %add3A_570 = arith.addi %add3A_569, %min3A_563 : vector<16xi32>
      %gather3A_571 = tpu.vector_load_idx %arg14[%add3A_570] : memref<160xi32, #tpu.memory_space<vmem>>[vector<16xi32>], vector<16xi32>,
      %add3A_572 = arith.addi %gather3A_571, %rem3A_566 : vector<16xi32>
      %gather3A_573 = tpu.vector_load_idx %arg15[%add3A_570, %add3A_572] : memref<160x128xi32, #tpu.memory_space<vmem>>[vector<16xi32>, vector<16xi32>], vector<16xi32>,
      %swap3A_574 = arith.constant 0 : i32
      %swap3A_575 = arith.index_cast %swap3A_574 : i32 to index
      %swap3A_576 = arith.constant 96 : index
      %swap3A_577 = tpu.vector_load %arg16[%swap3A_575, %swap3A_576] {strides = array<i32>} : memref<2x128xi32, #tpu.memory_space<vmem>>, vector<16xi32>,
      tpu.vector_store %arg16[%swap3A_575, %swap3A_576], %gather3A_573 {strides = array<i32>} : memref<2x128xi32, #tpu.memory_space<vmem>>, vector<16xi32>,
      %add3A_578 = arith.constant 112 : i32
      %add3A_579 = vector.broadcast %add3A_578 : i32 to vector<16xi32>
      %add3A_580 = arith.addi %add3A_579, %iota3A : vector<16xi32>
      %div3A_581 = arith.constant 25 : i32
      %div3A_582 = vector.broadcast %div3A_581 : i32 to vector<16xi32>
      %div3A_583 = arith.divsi %add3A_580, %div3A_582 : vector<16xi32>
      %min3A_584 = arith.constant 4 : i32
      %min3A_585 = vector.broadcast %min3A_584 : i32 to vector<16xi32>
      %min3A_586 = arith.minsi %div3A_583, %min3A_585 : vector<16xi32>
      %rem3A_587 = arith.constant 25 : i32
      %rem3A_588 = vector.broadcast %rem3A_587 : i32 to vector<16xi32>
      %rem3A_589 = arith.remsi %add3A_580, %rem3A_588 : vector<16xi32>
      %mul3A_590 = arith.constant 5 : i32
      %mul3A_591 = arith.muli %scan3A_417, %mul3A_590 : i32
      %add3A_592 = vector.broadcast %mul3A_591 : i32 to vector<16xi32>
      %add3A_593 = arith.addi %add3A_592, %min3A_586 : vector<16xi32>
      %gather3A_594 = tpu.vector_load_idx %arg14[%add3A_593] : memref<160xi32, #tpu.memory_space<vmem>>[vector<16xi32>], vector<16xi32>,
      %add3A_595 = arith.addi %gather3A_594, %rem3A_589 : vector<16xi32>
      %gather3A_596 = tpu.vector_load_idx %arg15[%add3A_593, %add3A_595] : memref<160x128xi32, #tpu.memory_space<vmem>>[vector<16xi32>, vector<16xi32>], vector<16xi32>,
      %swap3A_597 = arith.constant 0 : i32
      %swap3A_598 = arith.index_cast %swap3A_597 : i32 to index
      %swap3A_599 = arith.constant 112 : index
      %swap3A_600 = tpu.vector_load %arg16[%swap3A_598, %swap3A_599] {strides = array<i32>} : memref<2x128xi32, #tpu.memory_space<vmem>>, vector<16xi32>,
      tpu.vector_store %arg16[%swap3A_598, %swap3A_599], %gather3A_596 {strides = array<i32>} : memref<2x128xi32, #tpu.memory_space<vmem>>, vector<16xi32>,
      %dma_start3A_601 = arith.constant 0 : i32
      %dma_start3A_602 = arith.constant 0 : i32
      %dma_start3A_603 = tpu.memref_slice %arg16[%dma_start3A_601, %dma_start3A_602] : memref<2x128xi32, #tpu.memory_space<vmem>> -> memref<1x128xi32, #tpu.memory_space<vmem>>
      %dma_start3A_604 = tpu.memref_squeeze %dma_start3A_603 : memref<1x128xi32, #tpu.memory_space<vmem>> -> memref<128xi32, #tpu.memory_space<vmem>>
      %dma_start3A_605 = arith.constant 0 : i32
      %dma_start3A_606 = arith.constant 0 : i32
      %dma_start3A_607 = tpu.memref_slice %arg2[%dma_start3A_605, %dma_start3A_606] : memref<100000x128xf32, #tpu.memory_space<hbm>> -> memref<100000x128xf32, #tpu.memory_space<hbm>>
      tpu.enqueue_indirect_dma source(%dma_start3A_607 : memref<100000x128xf32, #tpu.memory_space<hbm>>) target(%arg19 : memref<128x128xf32, #tpu.memory_space<vmem>>) offsets(%dma_start3A_604 : memref<128xi32, #tpu.memory_space<vmem>>) semaphore(%arg21 : memref<!tpu.dma_semaphore, #tpu.memory_space<semaphore_mem>>)
      %dma_wait3A_608 = arith.constant 0 : i32
      %dma_wait3A_609 = arith.constant 0 : i32
      %dma_wait3A_610 = tpu.memref_slice %arg16[%dma_wait3A_608, %dma_wait3A_609] : memref<2x128xi32, #tpu.memory_space<vmem>> -> memref<1x128xi32, #tpu.memory_space<vmem>>
      %dma_wait3A_611 = tpu.memref_squeeze %dma_wait3A_610 : memref<1x128xi32, #tpu.memory_space<vmem>> -> memref<128xi32, #tpu.memory_space<vmem>>
      %dma_wait3A_612 = arith.constant 0 : i32
      %dma_wait3A_613 = arith.constant 0 : i32
      %dma_wait3A_614 = tpu.memref_slice %arg2[%dma_wait3A_612, %dma_wait3A_613] : memref<100000x128xf32, #tpu.memory_space<hbm>> -> memref<100000x128xf32, #tpu.memory_space<hbm>>
      tpu.wait_indirect_dma semaphore(%arg21 : memref<!tpu.dma_semaphore, #tpu.memory_space<semaphore_mem>>) src(%dma_wait3A_614 : memref<100000x128xf32, #tpu.memory_space<hbm>>) dst(%arg19 : memref<128x128xf32, #tpu.memory_space<vmem>>)
      %scan3A_615 = arith.constant 0 : i32
      %scan3A_616 = arith.constant 0 : i32
      %scan3A_617 = arith.constant 5 : i32
      %scan3A_618 = arith.addi %scan3A_616, %scan3A_617 : i32
      %scan3A_619 = arith.constant 1 : i32
      scf.for %scan3A_621 = %scan3A_616 to %scan3A_618 step %scan3A_619  : i32 {
        %mul3A_622 = arith.constant 25 : i32
        %mul3A_623 = arith.muli %scan3A_621, %mul3A_622 : i32
        %broadcast_in_dim3A = arith.constant 0.000000e+00 : f32
        %broadcast_in_dim3A_624 = vector.broadcast %broadcast_in_dim3A : f32 to vector<16xf32>
        %broadcast_in_dim3A_625 = arith.constant 0.000000e+00 : f32
        %broadcast_in_dim3A_626 = vector.broadcast %broadcast_in_dim3A_625 : f32 to vector<16xf32>
        %broadcast_in_dim3A_627 = arith.constant 0.000000e+00 : f32
        %broadcast_in_dim3A_628 = vector.broadcast %broadcast_in_dim3A_627 : f32 to vector<16xf32>
        %broadcast_in_dim3A_629 = arith.constant 0.000000e+00 : f32
        %broadcast_in_dim3A_630 = vector.broadcast %broadcast_in_dim3A_629 : f32 to vector<16xf32>
        %broadcast_in_dim3A_631 = arith.constant 0.000000e+00 : f32
        %broadcast_in_dim3A_632 = vector.broadcast %broadcast_in_dim3A_631 : f32 to vector<16xf32>
        %broadcast_in_dim3A_633 = arith.constant 0.000000e+00 : f32
        %broadcast_in_dim3A_634 = vector.broadcast %broadcast_in_dim3A_633 : f32 to vector<16xf32>
        %broadcast_in_dim3A_635 = arith.constant 0.000000e+00 : f32
        %broadcast_in_dim3A_636 = vector.broadcast %broadcast_in_dim3A_635 : f32 to vector<16xf32>
        %broadcast_in_dim3A_637 = arith.constant 0.000000e+00 : f32
        %broadcast_in_dim3A_638 = vector.broadcast %broadcast_in_dim3A_637 : f32 to vector<16xf32>
        %scan3A_639 = arith.constant 0 : i32
        %scan3A_640 = arith.constant 25 : i32
        %scan3A_641 = arith.addi %scan3A_639, %scan3A_640 : i32
        %scan3A_642 = arith.constant 1 : i32
        %scan3A_643:8 = scf.for %scan3A_693 = %scan3A_639 to %scan3A_641 step %scan3A_642 iter_args(%scan3A_694 = %broadcast_in_dim3A_624, %scan3A_695 = %broadcast_in_dim3A_626, %scan3A_696 = %broadcast_in_dim3A_628, %scan3A_697 = %broadcast_in_dim3A_630, %scan3A_698 = %broadcast_in_dim3A_632, %scan3A_699 = %broadcast_in_dim3A_634, %scan3A_700 = %broadcast_in_dim3A_636, %scan3A_701 = %broadcast_in_dim3A_638) -> (vector<16xf32>, vector<16xf32>, vector<16xf32>, vector<16xf32>, vector<16xf32>, vector<16xf32>, vector<16xf32>, vector<16xf32>)  : i32 {
          %add3A_702 = arith.addi %mul3A_623, %scan3A_693 : i32
          %get3A_703 = arith.index_cast %add3A_702 : i32 to index
          %get3A_704 = arith.constant 0 : index
          %get3A_705 = tpu.vector_load %arg19[%get3A_703, %get3A_704] {strides = array<i32>} : memref<128x128xf32, #tpu.memory_space<vmem>>, vector<16xf32>,
          %add3A_706 = arith.addf %scan3A_694, %get3A_705 : vector<16xf32>
          %get3A_707 = arith.index_cast %add3A_702 : i32 to index
          %get3A_708 = arith.constant 16 : index
          %get3A_709 = tpu.vector_load %arg19[%get3A_707, %get3A_708] {strides = array<i32>} : memref<128x128xf32, #tpu.memory_space<vmem>>, vector<16xf32>,
          %add3A_710 = arith.addf %scan3A_695, %get3A_709 : vector<16xf32>
          %get3A_711 = arith.index_cast %add3A_702 : i32 to index
          %get3A_712 = arith.constant 32 : index
          %get3A_713 = tpu.vector_load %arg19[%get3A_711, %get3A_712] {strides = array<i32>} : memref<128x128xf32, #tpu.memory_space<vmem>>, vector<16xf32>,
          %add3A_714 = arith.addf %scan3A_696, %get3A_713 : vector<16xf32>
          %get3A_715 = arith.index_cast %add3A_702 : i32 to index
          %get3A_716 = arith.constant 48 : index
          %get3A_717 = tpu.vector_load %arg19[%get3A_715, %get3A_716] {strides = array<i32>} : memref<128x128xf32, #tpu.memory_space<vmem>>, vector<16xf32>,
          %add3A_718 = arith.addf %scan3A_697, %get3A_717 : vector<16xf32>
          %get3A_719 = arith.index_cast %add3A_702 : i32 to index
          %get3A_720 = arith.constant 64 : index
          %get3A_721 = tpu.vector_load %arg19[%get3A_719, %get3A_720] {strides = array<i32>} : memref<128x128xf32, #tpu.memory_space<vmem>>, vector<16xf32>,
          %add3A_722 = arith.addf %scan3A_698, %get3A_721 : vector<16xf32>
          %get3A_723 = arith.index_cast %add3A_702 : i32 to index
          %get3A_724 = arith.constant 80 : index
          %get3A_725 = tpu.vector_load %arg19[%get3A_723, %get3A_724] {strides = array<i32>} : memref<128x128xf32, #tpu.memory_space<vmem>>, vector<16xf32>,
          %add3A_726 = arith.addf %scan3A_699, %get3A_725 : vector<16xf32>
          %get3A_727 = arith.index_cast %add3A_702 : i32 to index
          %get3A_728 = arith.constant 96 : index
          %get3A_729 = tpu.vector_load %arg19[%get3A_727, %get3A_728] {strides = array<i32>} : memref<128x128xf32, #tpu.memory_space<vmem>>, vector<16xf32>,
          %add3A_730 = arith.addf %scan3A_700, %get3A_729 : vector<16xf32>
          %get3A_731 = arith.index_cast %add3A_702 : i32 to index
          %get3A_732 = arith.constant 112 : index
          %get3A_733 = tpu.vector_load %arg19[%get3A_731, %get3A_732] {strides = array<i32>} : memref<128x128xf32, #tpu.memory_space<vmem>>, vector<16xf32>,
          %add3A_734 = arith.addf %scan3A_701, %get3A_733 : vector<16xf32>
          scf.yield %add3A_706, %add3A_710, %add3A_714, %add3A_718, %add3A_722, %add3A_726, %add3A_730, %add3A_734 : vector<16xf32>, vector<16xf32>, vector<16xf32>, vector<16xf32>, vector<16xf32>, vector<16xf32>, vector<16xf32>, vector<16xf32>
        }
        %scan3A_644 = arith.constant 25 : i32
        %mul3A_645 = arith.constant 5 : i32
        %mul3A_646 = arith.muli %scan3A_417, %mul3A_645 : i32
        %add3A_647 = arith.addi %mul3A_646, %scan3A_621 : i32
        %swap3A_648 = arith.index_cast %add3A_647 : i32 to index
        %swap3A_649 = arith.constant 0 : index
        %swap3A_650 = tpu.vector_load %arg20[%swap3A_648, %swap3A_649] {strides = array<i32>} : memref<160x128xf32, #tpu.memory_space<vmem>>, vector<16xf32>,
        tpu.vector_store %arg20[%swap3A_648, %swap3A_649], %scan3A_643#0 {strides = array<i32>} : memref<160x128xf32, #tpu.memory_space<vmem>>, vector<16xf32>,
        %mul3A_651 = arith.constant 5 : i32
        %mul3A_652 = arith.muli %scan3A_417, %mul3A_651 : i32
        %add3A_653 = arith.addi %mul3A_652, %scan3A_621 : i32
        %swap3A_654 = arith.index_cast %add3A_653 : i32 to index
        %swap3A_655 = arith.constant 16 : index
        %swap3A_656 = tpu.vector_load %arg20[%swap3A_654, %swap3A_655] {strides = array<i32>} : memref<160x128xf32, #tpu.memory_space<vmem>>, vector<16xf32>,
        tpu.vector_store %arg20[%swap3A_654, %swap3A_655], %scan3A_643#1 {strides = array<i32>} : memref<160x128xf32, #tpu.memory_space<vmem>>, vector<16xf32>,
        %mul3A_657 = arith.constant 5 : i32
        %mul3A_658 = arith.muli %scan3A_417, %mul3A_657 : i32
        %add3A_659 = arith.addi %mul3A_658, %scan3A_621 : i32
        %swap3A_660 = arith.index_cast %add3A_659 : i32 to index
        %swap3A_661 = arith.constant 32 : index
        %swap3A_662 = tpu.vector_load %arg20[%swap3A_660, %swap3A_661] {strides = array<i32>} : memref<160x128xf32, #tpu.memory_space<vmem>>, vector<16xf32>,
        tpu.vector_store %arg20[%swap3A_660, %swap3A_661], %scan3A_643#2 {strides = array<i32>} : memref<160x128xf32, #tpu.memory_space<vmem>>, vector<16xf32>,
        %mul3A_663 = arith.constant 5 : i32
        %mul3A_664 = arith.muli %scan3A_417, %mul3A_663 : i32
        %add3A_665 = arith.addi %mul3A_664, %scan3A_621 : i32
        %swap3A_666 = arith.index_cast %add3A_665 : i32 to index
        %swap3A_667 = arith.constant 48 : index
        %swap3A_668 = tpu.vector_load %arg20[%swap3A_666, %swap3A_667] {strides = array<i32>} : memref<160x128xf32, #tpu.memory_space<vmem>>, vector<16xf32>,
        tpu.vector_store %arg20[%swap3A_666, %swap3A_667], %scan3A_643#3 {strides = array<i32>} : memref<160x128xf32, #tpu.memory_space<vmem>>, vector<16xf32>,
        %mul3A_669 = arith.constant 5 : i32
        %mul3A_670 = arith.muli %scan3A_417, %mul3A_669 : i32
        %add3A_671 = arith.addi %mul3A_670, %scan3A_621 : i32
        %swap3A_672 = arith.index_cast %add3A_671 : i32 to index
        %swap3A_673 = arith.constant 64 : index
        %swap3A_674 = tpu.vector_load %arg20[%swap3A_672, %swap3A_673] {strides = array<i32>} : memref<160x128xf32, #tpu.memory_space<vmem>>, vector<16xf32>,
        tpu.vector_store %arg20[%swap3A_672, %swap3A_673], %scan3A_643#4 {strides = array<i32>} : memref<160x128xf32, #tpu.memory_space<vmem>>, vector<16xf32>,
        %mul3A_675 = arith.constant 5 : i32
        %mul3A_676 = arith.muli %scan3A_417, %mul3A_675 : i32
        %add3A_677 = arith.addi %mul3A_676, %scan3A_621 : i32
        %swap3A_678 = arith.index_cast %add3A_677 : i32 to index
        %swap3A_679 = arith.constant 80 : index
        %swap3A_680 = tpu.vector_load %arg20[%swap3A_678, %swap3A_679] {strides = array<i32>} : memref<160x128xf32, #tpu.memory_space<vmem>>, vector<16xf32>,
        tpu.vector_store %arg20[%swap3A_678, %swap3A_679], %scan3A_643#5 {strides = array<i32>} : memref<160x128xf32, #tpu.memory_space<vmem>>, vector<16xf32>,
        %mul3A_681 = arith.constant 5 : i32
        %mul3A_682 = arith.muli %scan3A_417, %mul3A_681 : i32
        %add3A_683 = arith.addi %mul3A_682, %scan3A_621 : i32
        %swap3A_684 = arith.index_cast %add3A_683 : i32 to index
        %swap3A_685 = arith.constant 96 : index
        %swap3A_686 = tpu.vector_load %arg20[%swap3A_684, %swap3A_685] {strides = array<i32>} : memref<160x128xf32, #tpu.memory_space<vmem>>, vector<16xf32>,
        tpu.vector_store %arg20[%swap3A_684, %swap3A_685], %scan3A_643#6 {strides = array<i32>} : memref<160x128xf32, #tpu.memory_space<vmem>>, vector<16xf32>,
        %mul3A_687 = arith.constant 5 : i32
        %mul3A_688 = arith.muli %scan3A_417, %mul3A_687 : i32
        %add3A_689 = arith.addi %mul3A_688, %scan3A_621 : i32
        %swap3A_690 = arith.index_cast %add3A_689 : i32 to index
        %swap3A_691 = arith.constant 112 : index
        %swap3A_692 = tpu.vector_load %arg20[%swap3A_690, %swap3A_691] {strides = array<i32>} : memref<160x128xf32, #tpu.memory_space<vmem>>, vector<16xf32>,
        tpu.vector_store %arg20[%swap3A_690, %swap3A_691], %scan3A_643#7 {strides = array<i32>} : memref<160x128xf32, #tpu.memory_space<vmem>>, vector<16xf32>,
      }
      %scan3A_620 = arith.constant 5 : i32
    }
    %scan3A_416 = arith.constant 32 : i32
    "tpu.region"() ({
      %run_scoped3A = tpu.sem_alloc : memref<!tpu.dma_semaphore, #tpu.memory_space<semaphore_mem>>
      %dma_start3A_417 = arith.constant 0 : i32
      %dma_start3A_418 = tpu.memref_slice %arg7[%mul3A_4, %dma_start3A_417] : memref<5120x128xf32, #tpu.memory_space<hbm>> -> memref<160x128xf32, #tpu.memory_space<hbm>>
      %dma_start3A_419 = arith.constant 0 : i32
      %dma_start3A_420 = tpu.memref_slice %arg7[%mul3A_4, %dma_start3A_419] : memref<5120x128xf32, #tpu.memory_space<hbm>> -> memref<160x128xf32, #tpu.memory_space<hbm>>
      tpu.enqueue_dma source(%arg20 : memref<160x128xf32, #tpu.memory_space<vmem>>) target(%dma_start3A_420 : memref<160x128xf32, #tpu.memory_space<hbm>>) target_semaphore(%run_scoped3A : memref<!tpu.dma_semaphore, #tpu.memory_space<semaphore_mem>>)
      %dma_wait3A_421 = arith.constant 0 : i32
      %dma_wait3A_422 = tpu.memref_slice %arg7[%mul3A_4, %dma_wait3A_421] : memref<5120x128xf32, #tpu.memory_space<hbm>> -> memref<160x128xf32, #tpu.memory_space<hbm>>
      %dma_wait3A_423 = arith.constant 0 : i32
      %dma_wait3A_424 = tpu.memref_slice %arg7[%mul3A_4, %dma_wait3A_423] : memref<5120x128xf32, #tpu.memory_space<hbm>> -> memref<160x128xf32, #tpu.memory_space<hbm>>
      tpu.wait_dma2 semaphore(%run_scoped3A : memref<!tpu.dma_semaphore, #tpu.memory_space<semaphore_mem>>) src(%arg20 : memref<160x128xf32, #tpu.memory_space<vmem>>) dst(%dma_wait3A_424 : memref<160x128xf32, #tpu.memory_space<hbm>>)
      tpu.yield
    }) : () -> ()
    return
  }
}

module attributes {stable_mosaic.version = 14 : i64} {
  func.func @body(%arg0: memref<512x128xf32, #tpu.memory_space<vmem>>, %arg1: memref<5120x128xf32, #tpu.memory_space<vmem>>, %arg2: memref<5120x128xf32, #tpu.memory_space<vmem>>, %arg3: memref<128x128xf32, #tpu.memory_space<vmem>>, %arg4: memref<128x128xf32, #tpu.memory_space<vmem>>, %arg5: memref<256x128xf32, #tpu.memory_space<vmem>>, %arg6: memref<256x128xf32, #tpu.memory_space<vmem>>, %arg7: memref<512x256xf32, #tpu.memory_space<vmem>>) attributes {dimension_semantics = [], scalar_prefetch = 0 : i64, scratch_operands = 0 : i64, tpu.core_type = #tpu.core_type<tc>} {
    %get3A = arith.constant 0 : index
    %get3A_0 = arith.constant 0 : index
    %get3A_1 = vector.load %arg1[%get3A, %get3A_0] : memref<5120x128xf32, #tpu.memory_space<vmem>>, vector<5120x128xf32>
    %get3A_2 = arith.constant 0 : index
    %get3A_3 = arith.constant 0 : index
    %get3A_4 = vector.load %arg3[%get3A_2, %get3A_3] : memref<128x128xf32, #tpu.memory_space<vmem>>, vector<128x128xf32>
    %dot_general3A = arith.constant dense<0.000000e+00> : vector<5120x128xf32>
    %dot_general3A_5 = tpu.matmul %get3A_1, %get3A_4, %dot_general3A {dimension_numbers = #tpu.dot_dimension_numbers<[1], [0], [0], [1], [0, 0, 1, 1], [], []>, transpose_lhs_hint = false} : vector<5120x128xf32>, vector<128x128xf32>, vector<5120x128xf32> -> vector<5120x128xf32>
    %get3A_6 = arith.constant 0 : index
    %get3A_7 = arith.constant 0 : index
    %get3A_8 = vector.load %arg2[%get3A_6, %get3A_7] : memref<5120x128xf32, #tpu.memory_space<vmem>>, vector<5120x128xf32>
    %mul3A = arith.constant 4.000000e-02 : f32
    %mul3A_9 = vector.broadcast %mul3A : f32 to vector<5120x128xf32>
    %mul3A_10 = arith.mulf %get3A_8, %mul3A_9 : vector<5120x128xf32>
    %get3A_11 = arith.constant 0 : index
    %get3A_12 = arith.constant 0 : index
    %get3A_13 = vector.load %arg4[%get3A_11, %get3A_12] : memref<128x128xf32, #tpu.memory_space<vmem>>, vector<128x128xf32>
    %dot_general3A_14 = arith.constant dense<0.000000e+00> : vector<5120x128xf32>
    %dot_general3A_15 = tpu.matmul %mul3A_10, %get3A_13, %dot_general3A_14 {dimension_numbers = #tpu.dot_dimension_numbers<[1], [0], [0], [1], [0, 0, 1, 1], [], []>, transpose_lhs_hint = false} : vector<5120x128xf32>, vector<128x128xf32>, vector<5120x128xf32> -> vector<5120x128xf32>
    %concatenate3A = tpu.concatenate %dot_general3A_5, %dot_general3A_15 in 1 : vector<5120x128xf32>, vector<5120x128xf32> -> vector<5120x256xf32>
    %max3A = arith.constant 0.000000e+00 : f32
    %max3A_16 = vector.broadcast %max3A : f32 to vector<5120x256xf32>
    %max3A_17 = arith.maximumf %concatenate3A, %max3A_16 : vector<5120x256xf32>
    %reshape3A = vector.shape_cast %max3A_17 : vector<5120x256xf32> to vector<512x10x256xf32>
    %reduce_sum3A = arith.constant dense<0.000000e+00> : vector<512x256xf32>
    %reduce_sum3A_18 = vector.multi_reduction <add>, %reshape3A, %reduce_sum3A [1] : vector<512x10x256xf32> to vector<512x256xf32>
    %div3A = arith.constant 1.000000e+01 : f32
    %div3A_19 = vector.broadcast %div3A : f32 to vector<512x256xf32>
    %div3A_20 = arith.divf %reduce_sum3A_18, %div3A_19 : vector<512x256xf32>
    %reshape3A_21 = vector.shape_cast %get3A_1 : vector<5120x128xf32> to vector<512x10x128xf32>
    %reduce_sum3A_22 = arith.constant dense<0.000000e+00> : vector<512x128xf32>
    %reduce_sum3A_23 = vector.multi_reduction <add>, %reshape3A_21, %reduce_sum3A_22 [1] : vector<512x10x128xf32> to vector<512x128xf32>
    %div3A_24 = arith.constant 1.000000e+01 : f32
    %div3A_25 = vector.broadcast %div3A_24 : f32 to vector<512x128xf32>
    %div3A_26 = arith.divf %reduce_sum3A_23, %div3A_25 : vector<512x128xf32>
    %get3A_27 = arith.constant 0 : index
    %get3A_28 = arith.constant 0 : index
    %get3A_29 = vector.load %arg0[%get3A_27, %get3A_28] : memref<512x128xf32, #tpu.memory_space<vmem>>, vector<512x128xf32>
    %get3A_30 = arith.constant 0 : index
    %get3A_31 = arith.constant 0 : index
    %get3A_32 = vector.load %arg3[%get3A_30, %get3A_31] : memref<128x128xf32, #tpu.memory_space<vmem>>, vector<128x128xf32>
    %dot_general3A_33 = arith.constant dense<0.000000e+00> : vector<512x128xf32>
    %dot_general3A_34 = tpu.matmul %get3A_29, %get3A_32, %dot_general3A_33 {dimension_numbers = #tpu.dot_dimension_numbers<[1], [0], [0], [1], [0, 0, 1, 1], [], []>, transpose_lhs_hint = false} : vector<512x128xf32>, vector<128x128xf32>, vector<512x128xf32> -> vector<512x128xf32>
    %get3A_35 = arith.constant 0 : index
    %get3A_36 = arith.constant 0 : index
    %get3A_37 = vector.load %arg4[%get3A_35, %get3A_36] : memref<128x128xf32, #tpu.memory_space<vmem>>, vector<128x128xf32>
    %dot_general3A_38 = arith.constant dense<0.000000e+00> : vector<512x128xf32>
    %dot_general3A_39 = tpu.matmul %div3A_26, %get3A_37, %dot_general3A_38 {dimension_numbers = #tpu.dot_dimension_numbers<[1], [0], [0], [1], [0, 0, 1, 1], [], []>, transpose_lhs_hint = false} : vector<512x128xf32>, vector<128x128xf32>, vector<512x128xf32> -> vector<512x128xf32>
    %concatenate3A_40 = tpu.concatenate %dot_general3A_34, %dot_general3A_39 in 1 : vector<512x128xf32>, vector<512x128xf32> -> vector<512x256xf32>
    %max3A_41 = arith.constant 0.000000e+00 : f32
    %max3A_42 = vector.broadcast %max3A_41 : f32 to vector<512x256xf32>
    %max3A_43 = arith.maximumf %concatenate3A_40, %max3A_42 : vector<512x256xf32>
    %get3A_44 = arith.constant 0 : index
    %get3A_45 = arith.constant 0 : index
    %get3A_46 = vector.load %arg5[%get3A_44, %get3A_45] : memref<256x128xf32, #tpu.memory_space<vmem>>, vector<256x128xf32>
    %dot_general3A_47 = arith.constant dense<0.000000e+00> : vector<512x128xf32>
    %dot_general3A_48 = tpu.matmul %max3A_43, %get3A_46, %dot_general3A_47 {dimension_numbers = #tpu.dot_dimension_numbers<[1], [0], [0], [1], [0, 0, 1, 1], [], []>, transpose_lhs_hint = false} : vector<512x256xf32>, vector<256x128xf32>, vector<512x128xf32> -> vector<512x128xf32>
    %get3A_49 = arith.constant 0 : index
    %get3A_50 = arith.constant 0 : index
    %get3A_51 = vector.load %arg6[%get3A_49, %get3A_50] : memref<256x128xf32, #tpu.memory_space<vmem>>, vector<256x128xf32>
    %dot_general3A_52 = arith.constant dense<0.000000e+00> : vector<512x128xf32>
    %dot_general3A_53 = tpu.matmul %div3A_20, %get3A_51, %dot_general3A_52 {dimension_numbers = #tpu.dot_dimension_numbers<[1], [0], [0], [1], [0, 0, 1, 1], [], []>, transpose_lhs_hint = false} : vector<512x256xf32>, vector<256x128xf32>, vector<512x128xf32> -> vector<512x128xf32>
    %concatenate3A_54 = tpu.concatenate %dot_general3A_48, %dot_general3A_53 in 1 : vector<512x128xf32>, vector<512x128xf32> -> vector<512x256xf32>
    %mul3A_55 = arith.mulf %concatenate3A_54, %concatenate3A_54 : vector<512x256xf32>
    %reduce_sum3A_56 = arith.constant dense<0.000000e+00> : vector<512xf32>
    %reduce_sum3A_57 = vector.multi_reduction <add>, %mul3A_55, %reduce_sum3A_56 [1] : vector<512x256xf32> to vector<512xf32>
    %broadcast_in_dim3A = vector.shape_cast %reduce_sum3A_57 : vector<512xf32> to vector<512x1xf32>
    %sqrt3A = math.sqrt %broadcast_in_dim3A : vector<512x1xf32>
    %max3A_58 = arith.constant 9.99999996E-13 : f32
    %max3A_59 = vector.broadcast %max3A_58 : f32 to vector<512x1xf32>
    %max3A_60 = arith.maximumf %sqrt3A, %max3A_59 : vector<512x1xf32>
    %div3A_61 = vector.broadcast %max3A_60 : vector<512x1xf32> to vector<512x256xf32>
    %div3A_62 = arith.divf %concatenate3A_54, %div3A_61 : vector<512x256xf32>
    %swap3A = arith.constant 0 : index
    %swap3A_63 = arith.constant 0 : index
    %swap3A_64 = vector.load %arg7[%swap3A, %swap3A_63] : memref<512x256xf32, #tpu.memory_space<vmem>>, vector<512x256xf32>
    tpu.vector_store %arg7[%swap3A, %swap3A_63], %div3A_62 {strides = array<i32>} : memref<512x256xf32, #tpu.memory_space<vmem>>, vector<512x256xf32>,
    return
  }
}

</mosaic_0001>

<sc_bundles>
// kernel: kernel.4.cloned.1.call-start
scs
__scs_entry_jumppad:
0x0: {  	(pc) =	sbr.rel $0x88, $3  }
0x1: {  	(tag) =	ssettag $0x0;
	lr =	simm.s32 $0x1  }
0x2: {  	[smem:$0x3F9A] =	sst lr;
	_ =	strace $0xD0000000  }
0x3: {  	_ = 	snop  }
0x4: {  	_ = 	snop  }
0x5: {  	_ = 	snop  }
0x6: {  	_ = 	snop  }
0x7: {  	_ = 	snop  }
__scs_overlays_trampoline_lowered:
0x8: {  	[smem:$0x3FA9] =	sst s0  }
0x9: {  	[smem:$0x3FAA] =	sst s1  }
0xa: {  	[smem:$0x3FAB] =	sst s2  }
0xb: {  	[smem:$0x3FAC] =	sst s3  }
0xc: {  	[smem:$0x3FAD] =	sst s4  }
0xd: {  	[smem:$0x3FAE] =	sst s5  }
0xe: {  	[smem:$0x3FAF] =	sst s6  }
0xf: {  	[smem:$0x3FB0] =	sst s7  }
0x10: {  	[smem:$0x3FB1] =	sst s8  }
0x11: {  	[smem:$0x3FB2] =	sst s9;
	s0 =	simm.s32 @!p0 $0x0  }
0x12: {  	s1 =	sld [smem:$0x3F98];
	s0 =	simm.s32 @p0 $0x1  }
0x13: {  	[smem:$0x3FB3] =	sst s0;
	s0 =	simm.s32 @!p1 $0x0  }
0x14: {  	s2 =	sld [smem:$0x3F97];
	s0 =	simm.s32 @p1 $0x1  }
0x15: {  	[smem:$0x3FB4] =	sst s0;
	s0 =	simm.s32 @!p2 $0x0  }
0x16: {  	s3 =	sld [smem:$0x3FDB];
	s0 =	simm.s32 @p2 $0x1  }
0x17: {  	s4 =	simm.s32 $0x1BF5;
	[smem:$0x3FB6] =	sst s0  }
0x18: {  	s0 =	sld [smem:$0x3F99];
	_ =	swait.ge [sflag:s4], $0x0  }
0x19: {  	s7 =	sld [smem:$0x3F9A]  }
0x1a: {  	s8 =	sadd.s32 $0xFFFFE003, lr  }
0x1b: {  	s9 =	sadd.s32 $0xFFFFFEF7, lr;
	s5 =	simm.s32 $0xFFFFFFFF;
	p2 =	slt.u32 s8, $0xFFFFF086  }
0x1c: {  	p1 =	slt.u32 s9, $0xF7A;
	s5 =	simm.s32 @!p2 $0x0  }
0x1d: {  	s5 =	simm.s32 @p1 $0x1;
	p0 =	seq.s32 s7, s2  }
0x1e: {  	s7 =	smul.u32 @!p0 $0xF7A, s2;
	p2 =	seq.s32 @!p0 s5, $0x0  }
0x1f: {  	s9 =	smul.u32 $0xF7A, s1;
	s8 =	simm.s32 @!p0 $0x1BF5;
	p2 =	por !p2, p0  }
0x20: {  	[sflag:s8] =	ssyncset.s32 @!p0 $0xFFFFF086;
	s6 =	sadd.s32 @!p0 s3, s7;
	s7 =	simm.s32 @!p0 $0x108  }
0x21: {  	s3 =	sadd.s32 s3, s9;
	s6 =	sadd.s32 @!p0 $0x88, s6;
	s7 =	simm.s32 @p2 $0x1082  }
0x22: {  	[simem:s7], [sflag:s8] =	dma.local @!p0 [hbm:s6], $0xF7A  }
0x23: {  	s9 =	sor.u32 $0xD0000000, s2;
	s6 =	simm.s32 $0x108;
	_ =	swait.ge @!p0 [sflag:s8], $0x0  }
0x24: {  	s3 =	sadd.s32 $0x88, s3;
	s6 =	simm.s32 @!p1 $0x1082;
	[sflag:s4] =	ssyncset.s32 $0xFFFFF086  }
0x25: {  	[simem:s6], [sflag:s4] =	dma.local [hbm:s3], $0xF7A  }
0x26: {  	[smem:$0x3F9A] =	sst s1;
	(tag) =	ssettag s2;
	_ =	strace s9  }
0x27: {  	s1 =	sld [smem:$0x3FAA]  }
0x28: {  	s2 =	sld [smem:$0x3FAB]  }
0x29: {  	s4 =	sld [smem:$0x3FAD]  }
0x2a: {  	p0 =	seq.s32 s5, $0x0;
	s5 =	sld [smem:$0x3FAE]  }
0x2b: {  	s6 =	sld [smem:$0x3FAF]  }
0x2c: {  	s7 =	sld [smem:$0x3FB0]  }
0x2d: {  	s3 =	simm.s32 $0x108;
	s8 =	sld [smem:$0x3FB1]  }
0x2e: {  	s3 =	simm.s32 @!p0 $0x1082;
	s9 =	sld [smem:$0x3FB2]  }
0x2f: {  	lr =	sadd.s32 s0, s3;
	s0 =	sld [smem:$0x3FA9]  }
0x30: {  	s3 =	sld [smem:$0x3FAC]  }
0x31: {  	[smem:$0x3FB5] =	sst s10  }
0x32: {  	s10 =	sld [smem:$0x3FB3];
	_ =	sdelay $0x3  }
0x33: {  	p0 =	seq.s32 s10, $0x1;
	s10 =	sld [smem:$0x3FB5];
	_ =	sdelay $0x3  }
0x34: {  	[smem:$0x3FB5] =	sst s10  }
0x35: {  	s10 =	sld [smem:$0x3FB4];
	_ =	sdelay $0x3  }
0x36: {  	p1 =	seq.s32 s10, $0x1;
	s10 =	sld [smem:$0x3FB5];
	_ =	sdelay $0x3  }
0x37: {  	[smem:$0x3FB5] =	sst s10  }
0x38: {  	s10 =	sld [smem:$0x3FB6]  }
0x39: {  	_ = 	snop;
	(pc) =	sbr.ind lr, $3  }
0x3a: {  	_ = 	snop  }
0x3b: {  	_ = 	snop  }
0x3c: {  	p2 =	seq.s32 s10, $0x1;
	s10 =	sld [smem:$0x3FB5]  }
0x3d: {  	_ =	shalt  }
0x3e: {  	_ =	shalt  }
0x3f: {  	_ =	shalt  }
0x40: {  	_ =	shalt  }
0x41: {  	_ =	shalt  }
0x42: {  	_ =	shalt  }
0x43: {  	_ =	shalt  }
0x44: {  	_ =	shalt  }
0x45: {  	_ =	shalt  }
0x46: {  	_ =	shalt  }
0x47: {  	_ =	shalt  }
0x48: {  	_ =	shalt  }
0x49: {  	_ =	shalt  }
0x4a: {  	_ =	shalt  }
0x4b: {  	_ =	shalt  }
0x4c: {  	_ =	shalt  }
0x4d: {  	_ =	shalt  }
0x4e: {  	_ =	shalt  }
0x4f: {  	_ =	shalt  }
0x50: {  	_ =	shalt  }
0x51: {  	_ =	shalt  }
0x52: {  	_ =	shalt  }
0x53: {  	_ =	shalt  }
0x54: {  	_ =	shalt  }
0x55: {  	_ =	shalt  }
0x56: {  	_ =	shalt  }
0x57: {  	_ =	shalt  }
0x58: {  	_ =	shalt  }
0x59: {  	_ =	shalt  }
0x5a: {  	_ =	shalt  }
0x5b: {  	_ =	shalt  }
0x5c: {  	_ =	shalt  }
0x5d: {  	_ =	shalt  }
0x5e: {  	_ =	shalt  }
0x5f: {  	_ =	shalt  }
0x60: {  	_ =	shalt  }
0x61: {  	_ =	shalt  }
0x62: {  	_ =	shalt  }
0x63: {  	_ =	shalt  }
0x64: {  	_ =	shalt  }
0x65: {  	_ =	shalt  }
0x66: {  	_ =	shalt  }
0x67: {  	_ =	shalt  }
0x68: {  	_ =	shalt  }
0x69: {  	_ =	shalt  }
0x6a: {  	_ =	shalt  }
0x6b: {  	_ =	shalt  }
0x6c: {  	_ =	shalt  }
0x6d: {  	_ =	shalt  }
0x6e: {  	_ =	shalt  }
0x6f: {  	_ =	shalt  }
0x70: {  	_ =	shalt  }
0x71: {  	_ =	shalt  }
0x72: {  	_ =	shalt  }
0x73: {  	_ =	shalt  }
0x74: {  	_ =	shalt  }
0x75: {  	_ =	shalt  }
0x76: {  	_ =	shalt  }
0x77: {  	_ =	shalt  }
0x78: {  	_ =	shalt  }
0x79: {  	_ =	shalt  }
0x7a: {  	_ =	shalt  }
0x7b: {  	_ =	shalt  }
0x7c: {  	_ =	shalt  }
0x7d: {  	_ =	shalt  }
0x7e: {  	_ =	shalt  }
0x7f: {  	_ =	shalt  }
0x80: {  	_ =	shalt  }
0x81: {  	_ =	shalt  }
0x82: {  	_ =	shalt  }
0x83: {  	_ =	shalt  }
0x84: {  	_ =	shalt  }
0x85: {  	_ =	shalt  }
0x86: {  	_ =	shalt  }
0x87: {  	_ =	shalt  }
.Lfunc_end0:
.L_simem_size_0:
called_computation_lowered:
.L_overlay_start_0:
0x88: {  	s2 =	sld [smem:$0x3FD9]  }
0x89: {  	s3 =	sld [smem:$0x3FFE];
	_ =	sdelay $0x1  }
0x8a: {  	s1 =	srdreg.scid  }
0x8b: {  	s0 =	sand.u32 $0x1, s1  }
0x8c: {  	s17 =	sshll.u32 s0, $0xA;
	s2 =	sadd.s32 s3, s2  }
0x8d: {  	s2 =	sadd.s32 s2, s17  }
0x8e: {  	[smem:$0x3FC1] =	sst s2  }
0x8f: {  	_ = 	snop  }
0x90: {  	s2 =	sld [smem:$0x3FC9]  }
0x91: {  	s18 =	sld [smem:$0x3FC3]  }
0x92: {  	s4 =	sld [smem:$0x3FD0];
	(tm) =	ssettm $0x1  }
0x93: {  	s5 =	sld [smem:$0x3FFB];
	_ =	sdelay $0x3  }
0x94: {  	_ =	strace s5  }
0x95: {  	s5 =	sld [smem:$0x3FFC];
	_ =	sdelay $0x3  }
0x96: {  	_ =	strace s5  }
0x97: {  	s5 =	sld [smem:$0x3FFD];
	_ =	sdelay $0x3  }
0x98: {  	_ =	strace s5  }
0x99: {  	_ =	strace $0x8FFFFFFF  }
0x9a: {  	s19 =	sld [smem:$0x3FDB];
	_ =	sdelay $0x1  }
0x9b: {  	s6 =	simm.s32 $_scs_section_size  }
0x9c: {  	s7 =	simm.s32 $_size__tile_overlayer_lowered;
	s8 =	simm.s32 $_tile_overlayer_lowered  }
0x9d: {  	s22 =	simm.s32 $0x1BFF;
	s21 =	sshll.u32 s8, $0x1;
	s5 =	sadd.s32 s6, s19  }
0x9e: {  	s9 =	simm.s32 $0x0;
	s20 =	sshll.u32 s7, $0x1;
	s7 =	sadd.s32 s21, s5  }
0x9f: {  	[timem:s9], [sflag:s22] =	dma.local [hbm:s7], s20  }
0xa0: {  	_ =	swait.ge [sflag:s22], s20  }
0xa1: {  	s6 =	ssub.s32 $0x0, s20;
	[sflag:s22] =	ssyncset.done $0x0  }
0xa2: {  	[sflag:s22] =	ssyncadd.s32 s6;
	_ =	sdelay $0x1  }
0xa3: {  	s23 =	simm.s32 $0x1B8B  }
0xa4: {  	_ =	swait.ge [sflag:s23], $0x1  }
0xa5: {  	[sflag:s23] =	ssyncset.done $0x0  }
0xa6: {  	s25 =	simm.s32 $0x1B8E;
	s24 =	sld [smem:$0x3FFE];
	[sflag:s23] =	ssyncadd.s32 $0xFFFFFFFF  }
0xa7: {  	s26 =	simm.s32 $execute0_lowered;
	[smem:$0x3FD2] =	sst s25  }
0xa8: {  	s7 =	sshll.u32 s26, $0x1;
	_ =	strace $0x80000046;
	[dreg:$0x1] =	wrdreg $0xFFFFFFFF  }
0xa9: {  	s28 =	simm.s32 $_size_execute0_lowered;
	s5 =	sadd.s32 s5, s7;
	[dreg:$0x0] =	wrdreg $0x0  }
0xaa: {  	s7 =	sshll.u32 s28, $0x1;
	[dreg:$0x2] =	wrdreg s5  }
0xab: {  	[dreg:$0x3] =	wrdreg s7  }
0xac: {  	[dreg:$0x4] =	wrdreg $0xC0  }
0xad: {  	_ =	task [dreg:s9], $0x5FFFF  }
0xae: {  	[dreg:$0x1] =	wrdreg $0xFFFFFFFF  }
0xaf: {  	[dreg:$0x0] =	wrdreg $0x60  }
0xb0: {  	[dreg:$0x2] =	wrdreg s2  }
0xb1: {  	[dreg:$0x3] =	wrdreg s24  }
0xb2: {  	[dreg:$0x4] =	wrdreg s18  }
0xb3: {  	[dreg:$0x5] =	wrdreg s4  }
0xb4: {  	[dreg:$0x6] =	wrdreg $0x9  }
0xb5: {  	_ =	task.clear_ibuf [dreg:s9], $0x7FFFF;
	_ =	strace $0x90000046  }
0xb6: {  	s29 =	simm.s32 $0x9;
	_ =	strace $0x80000048  }
0xb7: {  	_ =	swait.ge [sflag:s29], $0x1  }
0xb8: {  	[sflag:s29] =	ssyncadd.s32 $0xFFFFFFFF  }
0xb9: {  	_ =	strace $0x90000048  }
0xba: {  	_ =	sfence  }
0xbb: {  	s30 =	sld [smem:$0x0];
	_ =	sdelay $0x2  }
0xbc: {  	s31 =	sshll.u32 s1, $0xD;
	s1 =	sshrl.u32 s1, $0x2  }
0xbd: {  	s3 =	sand.u32 $0x4000, s31;
	s1 =	sadd.s32 s1, s30  }
0xbe: {  	s0 =	sor.u32 s3, s0;
	s1 =	sshll.u32 s1, $0x11  }
0xbf: {  	s0 =	sor.u32 s1, s0  }
0xc0: {  	s0 =	sadd.s32 $0x8F2B, s0  }
0xc1: {  	[sflag:s0] =	ssyncadd.remote.s32 $0x1  }
0xc2: {  	_ =	sfence.sel $0xFFFF  }
0xc3: {  	[dreg:$0x0] =	wrdreg $0xFFFFFFFF;
	(pc) =	sbr.abs _section_cstart, $3  }
0xc4: {  	[dreg:$0x1] =	wrdreg $0xFFFFFFFF  }
0xc5: {  	_ =	task.clear_ibuf [dreg:s9], $0x2FFFF;
	_ =	strace $0x9FFFFFFF  }
0xc6: {  	(tm) =	ssettm $0x7FFFFFFF  }
0xc7: {  	_ =	shalt  }
tec
execute0_lowered:
.L_overlay_start_1:
0x0: {  	(tag) =	ssettag $0x1  }
0x1: {  	v0 =	vimm.s32 $0x89888786;
	vm1 =	vcmask $0x2700  }
0x2: {  	v15 =	vimm.s32 $0x1;
	vm0 =	vcmask $0xF00;
	v17 =	vimm.s32 $0x3  }
0x3: {  	vm4 =	vcmask $0x1310;
	vm5 =	vcmask $0x3710;
	vm3 =	vcmask $0x1714  }
0x4: {  	vm2 =	vcmask $0x1B18;
	vm8 =	vcmask $0x1F1C;
	v4 =	vimm.s32 $0x7  }
0x5: {  	vm9 =	vcmask $0x1700;
	v7 =	vimm.s32 $0x207;
	v5 =	vimm.s32 $0xF  }
0x6: {  	vm10 =	vcmask $0x300;
	v8 =	vimm.s32 $0x303;
	v9 =	vimm.s32 $0x389  }
0x7: {  	v10 =	vimm.s32 $0x485;
	v11 =	vimm.s32 $0x581;
	v12 =	vimm.s32 $0x607  }
0x8: {  	v13 =	vimm.s32 $0x703;
	v14 =	vimm.s32 $0x789;
	vm11 =	vcmask $0x704  }
0x9: {  	vm12 =	vcmask $0xB08;
	vm13 =	vcmask $0xF0C;
	vm14 =	vcmask $0x2320  }
0xa: {  	vm15 =	vcmask $0x2724;
	v16 =	vimm.s32 $0x81800908;
	vm6 =	vcmask $0x2F2C  }
0xb: {  	vm7 =	vcmask $0x3330;
	v18 =	vimm.s32 $0x76543210;
	v20 =	vimm.s32 $0xD0D0C0C  }
0xc: {  	v25 =	vimm.s32 $0x32107654;
	v26 =	vimm.s32 $0x1001817;
	v27 =	vimm.s32 $0x18171615  }
0xd: {  	v28 =	vimm.s32 $0xB0A0908;
	v29 =	vimm.s32 $0x17161514;
	v30 =	vimm.s32 $0x181716  }
0xe: {  	v31 =	vimm.s32 $0x4030201;
	v32 =	vimm.s32 $0x11100F0E;
	v33 =	vimm.s32 $0x15141312  }
0xf: {  	v34 =	vimm.s32 $0xF0E0D0C;
	v1 =	vunpack.c.0.s8.s32 v0;
	v0 =	vsel vm1, $0x0, v15  }
0x10: {  	v2 =	vsel vm0, $0x1, v17;
	v4 =	vsel vm9, $0x6, v4;
	v5 =	vsel vm9, $0xE, v5  }
0x11: {  	v7 =	vsel vm10, $0x182, v7;
	v8 =	vsel vm10, $0x208, v8;
	v9 =	vsel vm10, $0x304, v9  }
0x12: {  	v10 =	vsel vm10, $0x400, v10;
	v11 =	vsel vm10, $0x486, v11;
	v12 =	vsel vm10, $0x582, v12  }
0x13: {  	v13 =	vsel vm10, $0x608, v13;
	v14 =	vsel vm10, $0x704, v14;
	v21 =	vunpack.c.0.s8.s32 v16  }
0x14: {  	v16 =	vimm.s32 $0x85848382;
	v18 =	vunpack.c.l.s4.s8 v18;
	vm9 =	vcmask $0x3B38  }
0x15: {  	vm10 =	vcmask $0x2300;
	v20 =	vunpack.c.0.s8.s32 v20;
	v25 =	vunpack.c.l.s4.s8 v25  }
0x16: {  	v26 =	vunpack.c.0.s8.s32 v26;
	v27 =	vunpack.c.0.s8.s32 v27;
	v29 =	vunpack.c.0.s8.s32 v29  }
0x17: {  	v30 =	vunpack.c.0.s8.s32 v30;
	v31 =	vunpack.c.0.s8.s32 v31;
	v32 =	vunpack.c.0.s8.s32 v32  }
0x18: {  	v33 =	vunpack.c.0.s8.s32 v33;
	v7 =	vsel vm11, $0x183, v7;
	v8 =	vsel vm11, $0x209, v8  }
0x19: {  	v9 =	vsel vm11, $0x305, v9;
	v10 =	vsel vm11, $0x401, v10;
	v11 =	vsel vm11, $0x487, v11  }
0x1a: {  	v12 =	vsel vm11, $0x583, v12;
	v13 =	vsel vm11, $0x609, v13;
	v14 =	vsel vm11, $0x705, v14  }
0x1b: {  	v22 =	vunpack.c.0.s8.s32 v16;
	v16 =	vimm.s32 $0x5050404;
	v15 =	vsel vm10, $0x0, v15  }
0x1c: {  	vm11 =	vcmask $0x700;
	v1 =	vand.u32 $0xFF, v1;
	v7 =	vsel vm12, $0x184, v7  }
0x1d: {  	v8 =	vsel vm12, $0x280, v8;
	v9 =	vsel vm12, $0x306, v9;
	v10 =	vsel vm12, $0x402, v10  }
0x1e: {  	v11 =	vsel vm12, $0x488, v11;
	v12 =	vsel vm12, $0x584, v12;
	v13 =	vsel vm12, $0x680, v13  }
0x1f: {  	v14 =	vsel vm12, $0x706, v14;
	v19 =	vunpack.c.0.s8.s32 v16;
	v16 =	vimm.s32 $0x2  }
0x20: {  	vm12 =	vcmask $0x2B00;
	v23 =	vunpack.c.0.s8.s32 v18;
	v18 =	vimm.s32 $0x54329876  }
0x21: {  	v20 =	vnsel vm0, $0xE, v20;
	v25 =	vunpack.c.0.s8.s32 v25;
	v1 =	vnsel vm0, $0x181, v1  }
0x22: {  	v7 =	vsel vm13, $0x185, v7;
	v8 =	vsel vm13, $0x281, v8;
	v9 =	vsel vm13, $0x307, v9  }
0x23: {  	v10 =	vsel vm13, $0x403, v10;
	v11 =	vsel vm13, $0x489, v11;
	v12 =	vsel vm13, $0x585, v12  }
0x24: {  	v13 =	vsel vm13, $0x681, v13;
	v14 =	vsel vm13, $0x707, v14;
	v16 =	vsel vm11, $0x1, v16  }
0x25: {  	v17 =	vsel vm12, $0x2, v17;
	vm13 =	vcmask $0x1F10;
	v24 =	vunpack.c.l.s4.s8 v18  }
0x26: {  	v18 =	vimm.s32 $0x4;
	v3 =	vsel vm4, $0x100, v1;
	v1 =	vsel vm5, $0x2, v2  }
0x27: {  	v7 =	vsel vm4, $0x186, v7;
	v8 =	vsel vm4, $0x282, v8;
	v9 =	vsel vm4, $0x308, v9  }
0x28: {  	v10 =	vsel vm4, $0x404, v10;
	v11 =	vsel vm4, $0x500, v11;
	v12 =	vsel vm4, $0x586, v12  }
0x29: {  	v13 =	vsel vm4, $0x682, v13;
	v14 =	vsel vm4, $0x708, v14;
	v19 =	vnsel vm0, $0x6, v19  }
0x2a: {  	v18 =	vsel vm0, $0x3, v18;
	v25 =	vand.u32 $0xF, v25;
	v23 =	vand.u32 $0xF, v23  }
0x2b: {  	v30 =	vsel vm13, v31, v30;
	v32 =	vsel vm13, v33, v32;
	v2 =	vsel vm3, $0x101, v3  }
0x2c: {  	v3 =	vimm.s32 $0xB;
	v7 =	vsel vm3, $0x187, v7;
	v8 =	vsel vm3, $0x283, v8  }
0x2d: {  	v9 =	vsel vm3, $0x309, v9;
	v10 =	vsel vm3, $0x405, v10;
	v11 =	vsel vm3, $0x501, v11  }
0x2e: {  	v12 =	vsel vm3, $0x587, v12;
	v13 =	vsel vm3, $0x683, v13;
	v14 =	vsel vm3, $0x709, v14  }
0x2f: {  	v24 =	vunpack.c.0.s8.s32 v24;
	v6 =	vsel vm2, $0x102, v2;
	v2 =	vimm.s32 $0x9  }
0x30: {  	v3 =	vsel vm0, $0x9, v3;
	v7 =	vsel vm2, $0x188, v7;
	v8 =	vsel vm2, $0x284, v8  }
0x31: {  	v9 =	vsel vm2, $0x380, v9;
	v10 =	vsel vm2, $0x406, v10;
	v11 =	vsel vm2, $0x502, v11  }
0x32: {  	v12 =	vsel vm2, $0x588, v12;
	v13 =	vsel vm2, $0x684, v13;
	v14 =	vsel vm2, $0x780, v14  }
0x33: {  	v2 =	vsel vm1, $0x8, v2;
	v3 =	vsel vm5, $0xA, v3;
	v6 =	vsel vm8, $0x103, v6  }
0x34: {  	v7 =	vsel vm8, $0x189, v7;
	v8 =	vsel vm8, $0x285, v8;
	v9 =	vsel vm8, $0x381, v9  }
0x35: {  	v10 =	vsel vm8, $0x407, v10;
	v11 =	vsel vm8, $0x503, v11;
	v12 =	vsel vm8, $0x589, v12  }
0x36: {  	v13 =	vsel vm8, $0x685, v13;
	v14 =	vsel vm8, $0x781, v14;
	vm5 =	vcmask $0x2B28  }
0x37: {  	vm8 =	vcmask $0x3734;
	v24 =	vand.u32 $0xF, v24;
	v6 =	vsel vm14, $0x104, v6  }
0x38: {  	v7 =	vsel vm14, $0x200, v7;
	v8 =	vsel vm14, $0x286, v8;
	v9 =	vsel vm14, $0x382, v9  }
0x39: {  	v10 =	vsel vm14, $0x408, v10;
	v11 =	vsel vm14, $0x504, v11;
	v12 =	vsel vm14, $0x600, v12  }
0x3a: {  	v13 =	vsel vm14, $0x686, v13;
	v14 =	vsel vm14, $0x782, v14;
	vm14 =	vcmask $0x2F10  }
0x3b: {  	v6 =	vsel vm15, $0x105, v6;
	v7 =	vsel vm15, $0x201, v7;
	v8 =	vsel vm15, $0x287, v8  }
0x3c: {  	v9 =	vsel vm15, $0x383, v9;
	v10 =	vsel vm15, $0x409, v10;
	v11 =	vsel vm15, $0x505, v11  }
0x3d: {  	v12 =	vsel vm15, $0x601, v12;
	v13 =	vsel vm15, $0x687, v13;
	v14 =	vsel vm15, $0x783, v14  }
0x3e: {  	v19 =	vsel vm14, $0x5, v19;
	v20 =	vsel vm14, $0xD, v20;
	v24 =	vsel vm14, v24, v26  }
0x3f: {  	v26 =	vimm.s32 $0xD0C0B0A;
	v25 =	vsel vm14, v25, v27;
	vm15 =	vcmask $0x3F30  }
0x40: {  	v27 =	vunpack.c.0.s8.s32 v28;
	v28 =	vsel vm13, v22, v21;
	v6 =	vsel vm5, $0x106, v6  }
0x41: {  	v7 =	vsel vm5, $0x202, v7;
	v8 =	vsel vm5, $0x288, v8;
	v9 =	vsel vm5, $0x384, v9  }
0x42: {  	v10 =	vsel vm5, $0x480, v10;
	v11 =	vsel vm5, $0x506, v11;
	v12 =	vsel vm5, $0x602, v12  }
0x43: {  	v13 =	vsel vm5, $0x688, v13;
	v14 =	vsel vm5, $0x784, v14;
	v26 =	vunpack.c.0.s8.s32 v26  }
0x44: {  	v6 =	vsel vm6, $0x107, v6;
	v7 =	vsel vm6, $0x203, v7;
	v8 =	vsel vm6, $0x289, v8  }
0x45: {  	v9 =	vsel vm6, $0x385, v9;
	v10 =	vsel vm6, $0x481, v10;
	v11 =	vsel vm6, $0x507, v11  }
0x46: {  	v12 =	vsel vm6, $0x603, v12;
	v13 =	vsel vm6, $0x689, v13;
	v14 =	vsel vm6, $0x785, v14  }
0x47: {  	v22 =	vsel vm15, v27, v25;
	v25 =	vimm.s32 $0x6050403;
	v27 =	vimm.s32 $0x2010018  }
0x48: {  	s0 =	rddreg [dreg:$0x0];
	v6 =	vsel vm7, $0x108, v6;
	v7 =	vsel vm7, $0x204, v7;
	v8 =	vsel vm7, $0x300, v8  }
0x49: {  	s1 =	rddreg [dreg:$0x1];
	v9 =	vsel vm7, $0x386, v9;
	v10 =	vsel vm7, $0x482, v10;
	v11 =	vsel vm7, $0x508, v11  }
0x4a: {  	s2 =	rddreg [dreg:$0x2];
	s3 =	srdreg.scid;
	v12 =	vsel vm7, $0x604, v12;
	v13 =	vsel vm7, $0x700, v13;
	v14 =	vsel vm7, $0x786, v14  }
0x4b: {  	s4 =	stileid.u32;
	s6 =	rddreg [dreg:$0x3];
	v21 =	vsel vm15, v26, v24;
	v24 =	vcombine.low v23, v28;
	v23 =	vlaneseq.u32  }
0x4c: {  	s11 =	simm.s32 $0x2;
	s12 =	simm.s32 $0x10;
	s13 =	simm.s32 $0x180;
	v25 =	vunpack.c.0.s8.s32 v25;
	v27 =	vunpack.c.0.s8.s32 v27;
	v28 =	vimm.s32 $0x13121110  }
0x4d: {  	s14 =	simm.s32 $0x5D80;
	s15 =	simm.s32 $0x1;
	s16 =	simm.s32 $0x80;
	v6 =	vsel vm8, $0x109, v6;
	v7 =	vsel vm8, $0x205, v7;
	v8 =	vsel vm8, $0x301, v8  }
0x4e: {  	s17 =	simm.s32 $0x50;
	s19 =	simm.s32 $0x6580;
	s21 =	simm.s32 $0xC80;
	v9 =	vsel vm8, $0x387, v9;
	v10 =	vsel vm8, $0x483, v10;
	v11 =	vsel vm8, $0x509, v11  }
0x4f: {  	s25 =	simm.s32 $0x3480;
	s28 =	simm.s32 $0x5C80;
	s29 =	simm.s32 $0xB580;
	v12 =	vsel vm8, $0x605, v12;
	v13 =	vsel vm8, $0x701, v13;
	v14 =	vsel vm8, $0x787, v14  }
0x50: {  	s30 =	simm.s32 $0xF580;
	s31 =	simm.s32 $0x0;
	s24 =	simm.s32 $0x0;
	v26 =	vshrl.u32 v23, $0x3;
	v28 =	vunpack.c.0.s8.s32 v28;
	v6 =	vsel vm9, $0x180, v6  }
0x51: {  	s5 =	sand.u32 $0x1, s3;
	s4 =	sshll.u32 s4, $0x1;
	s3 =	simm.s32 $0x0;
	v7 =	vsel vm9, $0x206, v7;
	v8 =	vsel vm9, $0x302, v8;
	v9 =	vsel vm9, $0x388, v9  }
0x52: {  	s7 =	sor.u32 s5, s4;
	[smem:$0x7FF] =	sst s3;
	s4 =	sadd.s32 $0x188000, s1;
	v10 =	vsel vm9, $0x484, v10;
	v11 =	vsel vm9, $0x580, v11;
	v12 =	vsel vm9, $0x606, v12  }
0x53: {  	s5 =	ssub.s32 $0x2, s5;
	s8 =	smul.u32 $0xA00, s7;
	_ =	strace $0x80000047;
	v13 =	vsel vm9, $0x702, v13;
	v14 =	vsel vm9, $0x788, v14;
	v35 =	vsel vm13, v25, v27  }
0x54: {  	s26 =	sshrl.u32 s5, $0x1;
	s9 =	sshll.u32 s7, $0x1;
	s7 =	sshll.u32 s7, $0x8;
	v25 =	vunpack.c.0.s8.s32 v34;
	v63 =	vsel vm13, v27, v29;
	v24 =	vand.u32 $0xFF, v24  }
0x55: {  	s10 =	ssub.s32 s5, s26;
	s5 =	sadd.s32 s2, s9;
	s6 =	sadd.s32 s6, s7;
	v31 =	vsel vm13, v29, v28;
	v29 =	vcombine.low v32, v30;
	v30 =	vadd.s32 $0x5, v23  }
0x56: {  	s26 =	simm.s32 $0xB80;
	s1 =	sadd.s32 s8, s1;
	s9 =	smax.u32 s10, $0x1;
	v34 =	vsel vm13, v28, v25;
	v25 =	vadd.s32 $0x3, v26;
	v26 =	vadd.s32 $0xB, v26  }
0x57: {  	s10 =	simm.s32 $0x100;
	s7 =	sadd.s32 $0x1600, s1;
	s8 =	sadd.s32 $0x15600, s1;
	v27 =	vcombine.low v31, v35;
	v28 =	vadd.s32 $0x7, v23;
	v31 =	vcombine.low v34, v63  }
.LBB2_1:
0x58: {  	[tilespmem:s10], [sflag:$0x2] =	stream.linear.gather [hbm4b:s5+s3], $0x10, $0x38;
	[tilespmem:$0x14580] =	vst v63  }
0x59: {  	_ =	swait.ge [sflag:s11], $0x10  }
0x5a: {  	[sflag:s11] =	ssyncset.done $0x0  }
0x5b: {  	[sflag:s11] =	ssyncadd.s32 $0xFFFFFFF0  }
0x5c: {  	v32 =	vld [tilespmem:$0x100];
	_ =	sdelay $0x4  }
0x5d: {  	v33 =	vshrl.u32 v32, $0x2;
	v32 =	vshll.u32 v32, $0x5  }
0x5e: {  	[tilespmem:$0x0] =	vst v33;
	v32 =	vand.u32 $0x60, v32  }
0x5f: {  	[tilespmem:$0x80] =	vst v32  }
0x60: {  	[tilespmem:s13], [sflag:$0x1] =	stream.indirect.gather [hbm4b:s4+s12], $0x80, s3, s12, $0xb8;
	[tilespmem:$0x14580] =	vst v63  }
0x61: {  	_ = 	snop  }
0x62: {  	[tilespmem:s14], [sflag:$0x1] =	stream.indirect.gather [hbm4b:s0+s12], $0x80, s10, s12, $0xb8;
	[tilespmem:$0x14580] =	vst v63  }
0x63: {  	_ =	swait.ge [sflag:s15], $0x800  }
0x64: {  	[sflag:s15] =	ssyncset.done $0x0  }
0x65: {  	[sflag:s15] =	ssyncadd.s32 $0xFFFFF800  }
0x66: {  	_ =	swait.ge [sflag:s15], $0x800  }
0x67: {  	[sflag:s15] =	ssyncset.done $0x0  }
0x68: {  	[sflag:s15] =	ssyncadd.s32 $0xFFFFF800  }
0x69: {  	v53 =	vld.idx.msk [tilespmem:v0+s16+$0x0], $0xffff;
	_ =	sdelay $0x4  }
0x6a: {  	v32 =	vadd.s32 v24, v53;
	_ =	sdelay $0x4  }
0x6b: {  	v32 =	vld.idx.msk [tilespmem:v32+s13+$0x0], $0xffff;
	_ =	sdelay $0x4  }
0x6c: {  	[tilespmem:$0x980] =	vst v32;
	v54 =	vshrl.u32 v32, $0x2;
	v32 =	vshll.u32 v32, $0x5  }
0x6d: {  	[tilespmem:$0xA80] =	vst v54;
	v32 =	vand.u32 $0x60, v32  }
0x6e: {  	[tilespmem:$0xB80] =	vst v32  }
0x6f: {  	v32 =	vld.idx.msk [tilespmem:v1+s16+$0x0], $0xffff;
	_ =	sdelay $0x4  }
0x70: {  	v32 =	vadd.s32 v6, v32;
	_ =	sdelay $0x4  }
0x71: {  	v32 =	vld.idx.msk [tilespmem:v32+s13+$0x0], $0xffff;
	_ =	sdelay $0x4  }
0x72: {  	[tilespmem:$0x990] =	vst v32;
	v55 =	vshrl.u32 v32, $0x2;
	v32 =	vshll.u32 v32, $0x5  }
0x73: {  	[tilespmem:$0xA90] =	vst v55;
	v32 =	vand.u32 $0x60, v32  }
0x74: {  	[tilespmem:$0xB90] =	vst v32  }
0x75: {  	v32 =	vld.idx.msk [tilespmem:v25+s16+$0x0], $0xffff;
	_ =	sdelay $0x4  }
0x76: {  	v32 =	vadd.s32 v7, v32;
	_ =	sdelay $0x4  }
0x77: {  	v32 =	vld.idx.msk [tilespmem:v32+s13+$0x0], $0xffff;
	_ =	sdelay $0x4  }
0x78: {  	[tilespmem:$0x9A0] =	vst v32;
	v56 =	vshrl.u32 v32, $0x2;
	v32 =	vshll.u32 v32, $0x5  }
0x79: {  	[tilespmem:$0xAA0] =	vst v56;
	v32 =	vand.u32 $0x60, v32  }
0x7a: {  	[tilespmem:$0xBA0] =	vst v32  }
0x7b: {  	v32 =	vld.idx.msk [tilespmem:v19+s16+$0x0], $0xffff;
	_ =	sdelay $0x4  }
0x7c: {  	v32 =	vadd.s32 v8, v32;
	_ =	sdelay $0x4  }
0x7d: {  	v32 =	vld.idx.msk [tilespmem:v32+s13+$0x0], $0xffff;
	_ =	sdelay $0x4  }
0x7e: {  	[tilespmem:$0x9B0] =	vst v32;
	v57 =	vshrl.u32 v32, $0x2;
	v32 =	vshll.u32 v32, $0x5  }
0x7f: {  	[tilespmem:$0xAB0] =	vst v57;
	v32 =	vand.u32 $0x60, v32  }
0x80: {  	[tilespmem:$0xBB0] =	vst v32  }
0x81: {  	v32 =	vld.idx.msk [tilespmem:v4+s16+$0x0], $0xffff;
	_ =	sdelay $0x4  }
0x82: {  	v32 =	vadd.s32 v9, v32;
	_ =	sdelay $0x4  }
0x83: {  	v32 =	vld.idx.msk [tilespmem:v32+s13+$0x0], $0xffff;
	_ =	sdelay $0x4  }
0x84: {  	[tilespmem:$0x9C0] =	vst v32;
	v58 =	vshrl.u32 v32, $0x2;
	v32 =	vshll.u32 v32, $0x5  }
0x85: {  	[tilespmem:$0xAC0] =	vst v58;
	v32 =	vand.u32 $0x60, v32  }
0x86: {  	[tilespmem:$0xBC0] =	vst v32  }
0x87: {  	v32 =	vld.idx.msk [tilespmem:v2+s16+$0x0], $0xffff;
	_ =	sdelay $0x4  }
0x88: {  	v32 =	vadd.s32 v10, v32;
	_ =	sdelay $0x4  }
0x89: {  	v32 =	vld.idx.msk [tilespmem:v32+s13+$0x0], $0xffff;
	_ =	sdelay $0x4  }
0x8a: {  	[tilespmem:$0xA00] =	vst v32;
	v59 =	vshrl.u32 v32, $0x2;
	v32 =	vshll.u32 v32, $0x5  }
0x8b: {  	[tilespmem:$0xB00] =	vst v59;
	v32 =	vand.u32 $0x60, v32  }
0x8c: {  	[tilespmem:$0xBD0] =	vst v32  }
0x8d: {  	v32 =	vld.idx.msk [tilespmem:v3+s16+$0x0], $0xffff;
	_ =	sdelay $0x4  }
0x8e: {  	v32 =	vadd.s32 v11, v32;
	_ =	sdelay $0x4  }
0x8f: {  	v32 =	vld.idx.msk [tilespmem:v32+s13+$0x0], $0xffff;
	_ =	sdelay $0x4  }
0x90: {  	[tilespmem:$0xA10] =	vst v32;
	v60 =	vshrl.u32 v32, $0x2;
	v32 =	vshll.u32 v32, $0x5  }
0x91: {  	[tilespmem:$0xB10] =	vst v60;
	v32 =	vand.u32 $0x60, v32  }
0x92: {  	[tilespmem:$0xBE0] =	vst v32  }
0x93: {  	v32 =	vld.idx.msk [tilespmem:v26+s16+$0x0], $0xffff;
	_ =	sdelay $0x4  }
0x94: {  	v32 =	vadd.s32 v12, v32;
	_ =	sdelay $0x4  }
0x95: {  	v32 =	vld.idx.msk [tilespmem:v32+s13+$0x0], $0xffff;
	_ =	sdelay $0x4  }
0x96: {  	[tilespmem:$0xA20] =	vst v32;
	v61 =	vshrl.u32 v32, $0x2;
	v32 =	vshll.u32 v32, $0x5  }
0x97: {  	[tilespmem:$0xB20] =	vst v61;
	v32 =	vand.u32 $0x60, v32  }
0x98: {  	[tilespmem:$0xBF0] =	vst v32  }
0x99: {  	v32 =	vld.idx.msk [tilespmem:v20+s16+$0x0], $0xffff;
	_ =	sdelay $0x4  }
0x9a: {  	v32 =	vadd.s32 v13, v32;
	_ =	sdelay $0x4  }
0x9b: {  	v32 =	vld.idx.msk [tilespmem:v32+s13+$0x0], $0xffff;
	_ =	sdelay $0x4  }
0x9c: {  	[tilespmem:$0xA30] =	vst v32;
	v62 =	vshrl.u32 v32, $0x2;
	v32 =	vshll.u32 v32, $0x5  }
0x9d: {  	[tilespmem:$0xB30] =	vst v62;
	v32 =	vand.u32 $0x60, v32  }
0x9e: {  	[tilespmem:$0xC00] =	vst v32  }
0x9f: {  	v32 =	vld.idx.msk [tilespmem:v5+s16+$0x0], $0xffff;
	_ =	sdelay $0x4  }
0xa0: {  	v32 =	vadd.s32 v14, v32;
	_ =	sdelay $0x4  }
0xa1: {  	v32 =	vld.idx.msk [tilespmem:v32+s13+$0x0], $0xffff;
	_ =	sdelay $0x4  }
0xa2: {  	[tilespmem:$0xA40] =	vst v32;
	v63 =	vshrl.u32 v32, $0x2;
	v32 =	vshll.u32 v32, $0x5  }
0xa3: {  	[tilespmem:$0xB40] =	vst v63;
	v32 =	vand.u32 $0x60, v32  }
0xa4: {  	s1 =	simm.s32 $0x980;
	[tilespmem:$0xC10] =	vst v32  }
0xa5: {  	[tilespmem:s19], [sflag:$0x1] =	stream.indirect.gather [hbm4b:s0+s17], $0x80, s1, s17, $0xb8;
	[tilespmem:$0x14580] =	vst v63  }
0xa6: {  	s20 =	simm.s32 $0xA80  }
0xa7: {  	[tilespmem:s21], [sflag:$0x1] =	stream.indirect.gather [hbm4b:s4+s17], $0x80, s20, s17, $0xb8;
	[tilespmem:$0x14580] =	vst v63  }
0xa8: {  	s22 =	simm.s32 $0xA00;
	s2 =	simm.s32 $0x8D80  }
0xa9: {  	[tilespmem:s2], [sflag:$0x1] =	stream.indirect.gather [hbm4b:s0+s17], $0x80, s22, s17, $0xb8;
	[tilespmem:$0x14580] =	vst v63  }
0xaa: {  	s23 =	simm.s32 $0xB00  }
0xab: {  	[tilespmem:s25], [sflag:$0x1] =	stream.indirect.gather [hbm4b:s4+s17], $0x80, s23, s17, $0xb8;
	[tilespmem:$0x14580] =	vst v63  }
0xac: {  	_ =	swait.ge [sflag:s15], $0x2800  }
0xad: {  	[sflag:s15] =	ssyncset.done $0x0  }
0xae: {  	[sflag:s15] =	ssyncadd.s32 $0xFFFFD800  }
0xaf: {  	_ =	swait.ge [sflag:s15], $0x2800  }
0xb0: {  	[sflag:s15] =	ssyncset.done $0x0  }
0xb1: {  	[sflag:s15] =	ssyncadd.s32 $0xFFFFD800  }
0xb2: {  	_ =	swait.ge [sflag:s15], $0x2800  }
0xb3: {  	[sflag:s15] =	ssyncset.done $0x0  }
0xb4: {  	[sflag:s15] =	ssyncadd.s32 $0xFFFFD800  }
0xb5: {  	_ =	swait.ge [sflag:s15], $0x2800  }
0xb6: {  	[sflag:s15] =	ssyncset.done $0x0  }
0xb7: {  	[sflag:s15] =	ssyncadd.s32 $0xFFFFD800  }
0xb8: {  	[hbm4b:s6+s3] =	stream.linear.scatter [tilespmem:s14], [sflag:$0x2], $0x800, $0x38;
	[tilespmem:$0x14580] =	vst v63  }
0xb9: {  	_ =	swait.ge [sflag:s11], $0x800  }
0xba: {  	[sflag:s11] =	ssyncset.done $0x0  }
0xbb: {  	[sflag:s11] =	ssyncadd.s32 $0xFFFFF800  }
0xbc: {  	[hbm4b:s7+s3] =	stream.linear.scatter [tilespmem:s19], [sflag:$0x2], $0x5000, $0x38;
	[tilespmem:$0x14580] =	vst v63  }
0xbd: {  	_ =	swait.ge [sflag:s11], $0x5000  }
0xbe: {  	[sflag:s11] =	ssyncset.done $0x0  }
0xbf: {  	s2 =	simm.s32 $0x0;
	[sflag:s11] =	ssyncadd.s32 $0xFFFFB000  }
.LBB2_2:
0xc0: {  	s1 =	smul.u32 $0x5, s2;
	_ =	sdelay $0x1  }
0xc1: {  	v32 =	vmov s1;
	_ =	sdelay $0x4  }
0xc2: {  	v33 =	vld.idx.msk [tilespmem:v32+s26+$0x0], $0xffff;
	_ =	sdelay $0x4  }
0xc3: {  	v33 =	vadd.s32 v23, v33  }
0xc4: {  	v35 =	vshll.u32 v32, $0x7;
	v34 =	vand.u32 $0xFFFFFF80, v33  }
0xc5: {  	v33 =	vand.u32 $0x7F, v33;
	v34 =	vadd.s32 v35, v34  }
0xc6: {  	v33 =	vor.u32 v33, v34;
	_ =	sdelay $0x4  }
0xc7: {  	v33 =	vld.idx.msk [tilespmem:v33+s21+$0x0], $0xffff  }
0xc8: {  	v51 =	vadd.s32 s1, v15;
	_ =	sdelay $0x3  }
0xc9: {  	[tilespmem:$0x5C80] =	vst v33  }
0xca: {  	v33 =	vld.idx.msk [tilespmem:v51+s26+$0x0], $0xffff;
	_ =	sdelay $0x4  }
0xcb: {  	v33 =	vadd.s32 v27, v33  }
0xcc: {  	v34 =	vshll.u32 v51, $0x7;
	v52 =	vand.u32 $0xFFFFFF80, v33  }
0xcd: {  	v33 =	vand.u32 $0x7F, v33;
	v34 =	vadd.s32 v34, v52  }
0xce: {  	v33 =	vor.u32 v33, v34;
	_ =	sdelay $0x4  }
0xcf: {  	v33 =	vld.idx.msk [tilespmem:v33+s21+$0x0], $0xffff  }
0xd0: {  	v53 =	vadd.s32 $0x1, v32;
	_ =	sdelay $0x3  }
0xd1: {  	[tilespmem:$0x5C90] =	vst v33  }
0xd2: {  	v33 =	vld.idx.msk [tilespmem:v53+s26+$0x0], $0xffff;
	_ =	sdelay $0x4  }
0xd3: {  	v33 =	vadd.s32 v28, v33  }
0xd4: {  	v34 =	vshll.u32 v53, $0x7;
	v54 =	vand.u32 $0xFFFFFF80, v33  }
0xd5: {  	v33 =	vand.u32 $0x7F, v33;
	v34 =	vadd.s32 v34, v54  }
0xd6: {  	v33 =	vor.u32 v33, v34;
	_ =	sdelay $0x4  }
0xd7: {  	v33 =	vld.idx.msk [tilespmem:v33+s21+$0x0], $0xffff  }
0xd8: {  	v55 =	vadd.s32 s1, v16;
	_ =	sdelay $0x3  }
0xd9: {  	[tilespmem:$0x5CA0] =	vst v33  }
0xda: {  	v33 =	vld.idx.msk [tilespmem:v55+s26+$0x0], $0xffff;
	_ =	sdelay $0x4  }
0xdb: {  	v33 =	vadd.s32 v21, v33  }
0xdc: {  	v34 =	vshll.u32 v55, $0x7;
	v56 =	vand.u32 $0xFFFFFF80, v33  }
0xdd: {  	v33 =	vand.u32 $0x7F, v33;
	v34 =	vadd.s32 v34, v56  }
0xde: {  	v33 =	vor.u32 v33, v34;
	_ =	sdelay $0x4  }
0xdf: {  	v33 =	vld.idx.msk [tilespmem:v33+s21+$0x0], $0xffff  }
0xe0: {  	v57 =	vadd.s32 s1, v17;
	_ =	sdelay $0x3  }
0xe1: {  	[tilespmem:$0x5CB0] =	vst v33  }
0xe2: {  	v33 =	vld.idx.msk [tilespmem:v57+s26+$0x0], $0xffff;
	_ =	sdelay $0x4  }
0xe3: {  	v33 =	vadd.s32 v29, v33  }
0xe4: {  	v34 =	vshll.u32 v57, $0x7;
	v58 =	vand.u32 $0xFFFFFF80, v33  }
0xe5: {  	v33 =	vand.u32 $0x7F, v33;
	v34 =	vadd.s32 v34, v58  }
0xe6: {  	v33 =	vor.u32 v33, v34;
	_ =	sdelay $0x4  }
0xe7: {  	v33 =	vld.idx.msk [tilespmem:v33+s21+$0x0], $0xffff  }
0xe8: {  	v59 =	vadd.s32 $0x3, v32;
	_ =	sdelay $0x3  }
0xe9: {  	[tilespmem:$0x5CC0] =	vst v33  }
0xea: {  	v33 =	vld.idx.msk [tilespmem:v59+s26+$0x0], $0xffff;
	_ =	sdelay $0x4  }
0xeb: {  	v33 =	vadd.s32 v30, v33  }
0xec: {  	v34 =	vshll.u32 v59, $0x7;
	v60 =	vand.u32 $0xFFFFFF80, v33  }
0xed: {  	v33 =	vand.u32 $0x7F, v33;
	v34 =	vadd.s32 v34, v60  }
0xee: {  	v33 =	vor.u32 v33, v34;
	_ =	sdelay $0x4  }
0xef: {  	v33 =	vld.idx.msk [tilespmem:v33+s21+$0x0], $0xffff  }
0xf0: {  	v61 =	vadd.s32 s1, v18;
	_ =	sdelay $0x3  }
0xf1: {  	[tilespmem:$0x5CD0] =	vst v33  }
0xf2: {  	v33 =	vld.idx.msk [tilespmem:v61+s26+$0x0], $0xffff;
	_ =	sdelay $0x4  }
0xf3: {  	v33 =	vadd.s32 v22, v33  }
0xf4: {  	v34 =	vshll.u32 v61, $0x7;
	v62 =	vand.u32 $0xFFFFFF80, v33  }
0xf5: {  	v33 =	vand.u32 $0x7F, v33;
	v34 =	vadd.s32 v34, v62  }
0xf6: {  	v33 =	vor.u32 v33, v34;
	_ =	sdelay $0x4  }
0xf7: {  	v33 =	vld.idx.msk [tilespmem:v33+s21+$0x0], $0xffff  }
0xf8: {  	v32 =	vadd.s32 $0x4, v32;
	_ =	sdelay $0x3  }
0xf9: {  	[tilespmem:$0x5CE0] =	vst v33  }
0xfa: {  	v33 =	vld.idx.msk [tilespmem:v32+s26+$0x0], $0xffff;
	_ =	sdelay $0x4  }
0xfb: {  	v33 =	vadd.s32 v31, v33  }
0xfc: {  	v32 =	vshll.u32 v32, $0x7;
	v63 =	vand.u32 $0xFFFFFF80, v33  }
0xfd: {  	v33 =	vand.u32 $0x7F, v33;
	v32 =	vadd.s32 v32, v63  }
0xfe: {  	v32 =	vor.u32 v33, v32;
	_ =	sdelay $0x4  }
0xff: {  	v32 =	vld.idx.msk [tilespmem:v32+s21+$0x0], $0xffff;
	_ =	sdelay $0x4  }
0x100: {  	[tilespmem:$0x5CF0] =	vst v32  }
0x101: {  	[tilespmem:s29], [sflag:$0x1] =	stream.indirect.gather [hbm4b:s0+s16], $0x80, s28, s16, $0xb8;
	[tilespmem:$0x14580] =	vst v63  }
0x102: {  	_ =	swait.ge [sflag:s15], $0x4000  }
0x103: {  	[sflag:s15] =	ssyncset.done $0x0  }
0x104: {  	s18 =	simm.s32 $0x0;
	s20 =	simm.s32 $0xB5C0;
	[sflag:s15] =	ssyncadd.s32 $0xFFFFC000  }
.LBB2_3:
0x105: {  	v33 =	vmov s20;
	_ =	sdelay $0x4  }
0x106: {  	v32 =	vld.idx.msk [tilespmem:v33+s24+$0x30 ss:$0x1], $0xffff  }
0x107: {  	v36 =	vld.idx.msk [tilespmem:v33+s24+$0xFFFFFFC0 ss:$0x1], $0xffff  }
0x108: {  	v45 =	vld.idx.msk [tilespmem:v33+s24+$0xFFFFFFD0 ss:$0x1], $0xffff  }
0x109: {  	v43 =	vld.idx.msk [tilespmem:v33+s24+$0xFFFFFFE0 ss:$0x1], $0xffff  }
0x10a: {  	v37 =	vld.idx.msk [tilespmem:v33+s24+$0xFFFFFFF0 ss:$0x1], $0xffff  }
0x10b: {  	v41 =	vimm.f32 $0.0e+00;
	v46 =	vimm.f32 $0.0e+00;
	v35 =	vld.idx.msk [tilespmem:v33+s24+$0x0 ss:$0x1], $0xffff  }
0x10c: {  	v39 =	vimm.f32 $0.0e+00;
	v42 =	vimm.f32 $0.0e+00;
	v38 =	vimm.f32 $0.0e+00;
	v34 =	vld.idx.msk [tilespmem:v33+s24+$0x10 ss:$0x1], $0xffff  }
0x10d: {  	s22 =	simm.s32 $0x80;
	s23 =	simm.s32 $0x400;
	v40 =	vld.idx.msk [tilespmem:v33+s24+$0x20 ss:$0x1], $0xffff;
	v32 =	vadd.f32 v32, v41;
	v44 =	vadd.f32 v36, v41;
	v36 =	vimm.f32 $0.0e+00  }
.LBB2_4:
0x10e: {  	p0 =	sne.s32 s23, $0x3000;
	v47 =	vld.idx.msk [tilespmem:v33+s22+$0x30 ss:$0x1], $0xffff;
	v41 =	vadd.f32 v45, v41  }
0x10f: {  	v46 =	vadd.f32 v43, v46;
	v48 =	vld.idx.msk [tilespmem:v33+s22+$0xFFFFFFC0 ss:$0x1], $0xffff  }
0x110: {  	v39 =	vadd.f32 v37, v39;
	v45 =	vld.idx.msk [tilespmem:v33+s22+$0xFFFFFFD0 ss:$0x1], $0xffff  }
.Ltmp0:
0x111: {  	v42 =	vadd.f32 v35, v42;
	v43 =	vld.idx.msk [tilespmem:v33+s22+$0xFFFFFFE0 ss:$0x1], $0xffff;
	(pc) =	sbr.rel @p0 .LBB2_4-.Ltmp0, $4  }
0x112: {  	v38 =	vadd.f32 v34, v38;
	v37 =	vld.idx.msk [tilespmem:v33+s22+$0xFFFFFFF0 ss:$0x1], $0xffff  }
0x113: {  	v36 =	vadd.f32 v40, v36;
	v35 =	vld.idx.msk [tilespmem:v33+s22+$0x0 ss:$0x1], $0xffff  }
0x114: {  	v32 =	vadd.f32 v47, v32;
	v34 =	vld.idx.msk [tilespmem:v33+s22+$0x10 ss:$0x1], $0xffff  }
0x115: {  	v44 =	vadd.f32 v48, v44;
	v40 =	vld.idx.msk [tilespmem:v33+s22+$0x20 ss:$0x1], $0xffff;
	s22 =	sshra.s32 s23, $0x2;
	s23 =	sadd.s32 $0x200, s23  }
0x116: {  	_ =	sdelay $0x3  }
0x117: {  	v48 =	vld.idx.msk [tilespmem:v33+s22+$0xFFFFFFC0 ss:$0x1], $0xffff  }
0x118: {  	v49 =	vld.idx.msk [tilespmem:v33+s22+$0xFFFFFFD0 ss:$0x1], $0xffff  }
0x119: {  	v50 =	vld.idx.msk [tilespmem:v33+s22+$0xFFFFFFE0 ss:$0x1], $0xffff  }
0x11a: {  	v51 =	vld.idx.msk [tilespmem:v33+s22+$0xFFFFFFF0 ss:$0x1], $0xffff  }
0x11b: {  	v41 =	vadd.f32 v45, v41;
	v59 =	vld.idx.msk [tilespmem:v33+s22+$0x0 ss:$0x1], $0xffff;
	s23 =	sadd.s32 s1, s18  }
0x11c: {  	v43 =	vadd.f32 v43, v46;
	v60 =	vld.idx.msk [tilespmem:v33+s22+$0x10 ss:$0x1], $0xffff;
	s23 =	sshll.u32 s23, $0x7;
	v44 =	vadd.f32 v48, v44  }
0x11d: {  	v47 =	vld.idx.msk [tilespmem:v33+s22+$0x30 ss:$0x1], $0xffff;
	v37 =	vadd.f32 v37, v39;
	s23 =	sand.u32 $0x3FFFFF80, s23;
	v62 =	vadd.f32 v49, v41  }
0x11e: {  	v61 =	vld.idx.msk [tilespmem:v33+s22+$0x20 ss:$0x1], $0xffff;
	v35 =	vadd.f32 v35, v42;
	v63 =	vadd.f32 v50, v43;
	[tilespmem:s23+$0xF580] =	vst v44  }
0x11f: {  	s18 =	sadd.s32 $0x1, s18;
	v34 =	vadd.f32 v34, v38;
	v37 =	vadd.f32 v51, v37;
	[tilespmem:s23+$0xF590] =	vst v62  }
0x120: {  	p0 =	sne.s32 s18, $0x5;
	v35 =	vadd.f32 v59, v35;
	[tilespmem:s23+$0xF5A0] =	vst v63  }
.Ltmp1:
0x121: {  	v36 =	vadd.f32 v40, v36;
	v34 =	vadd.f32 v60, v34;
	[tilespmem:s23+$0xF5B0] =	vst v37;
	(pc) =	sbr.rel @p0 .LBB2_3-.Ltmp1, $4  }
0x122: {  	v32 =	vadd.f32 v47, v32;
	[tilespmem:s23+$0xF5C0] =	vst v35  }
0x123: {  	v33 =	vadd.f32 v61, v36;
	[tilespmem:s23+$0xF5D0] =	vst v34  }
0x124: {  	[tilespmem:s23+$0xF5F0] =	vst v32  }
0x125: {  	s20 =	sadd.s32 $0xC80, s20;
	[tilespmem:s23+$0xF5E0] =	vst v33  }
0x126: {  	s2 =	sadd.s32 $0x1, s2  }
0x127: {  	p0 =	sne.s32 s2, $0x20  }
.Ltmp2:
0x128: {  	_ = 	snop;
	(pc) =	sbr.rel @p0 .LBB2_2-.Ltmp2, $1  }
0x129: {  	_ =	sdelay $0x3  }
0x12a: {  	s31 =	sadd.s32 $0x1, s31  }
0x12b: {  	p0 =	sne.s32 s31, s9  }
.Ltmp3:
0x12c: {  	_ = 	snop;
	(pc) =	sbr.rel @p0 .LBB2_1-.Ltmp3, $4  }
0x12d: {  	[hbm4b:s8+s3] =	stream.linear.scatter [tilespmem:s30], [sflag:$0x2], $0x5000, $0x38;
	[tilespmem:$0x14580] =	vst v63  }
0x12e: {  	_ =	swait.ge [sflag:s11], $0x5000  }
0x12f: {  	[sflag:s11] =	ssyncset.done $0x0  }
0x130: {  	[sflag:s11] =	ssyncadd.s32 $0xFFFFB000  }
0x131: {  	_ =	sfence.sel $0x180000  }
0x132: {  	[bflag:$0x0] =	sbarrier.arrive $0xFFFF  }
0x133: {  	_ =	strace $0x90000047  }
0x134: {  	s0 =	stileid.u32;
	[bflag:$0x2] =	sbarrier.arrive $0xFFFF  }
0x135: {  	p0 =	sne.s32 s0, $0x0;
	s0 =	rddreg [dreg:$0x4]  }
0x136: {  	s0 =	sadd.s32 @!p0 $0x100000, s0  }
0x137: {  	[sflag:s0] =	ssyncadd.tile.s32 @!p0 $0x1;
	_ =	shalt  }
.Lfunc_end2:
_tile_overlayer_lowered:
.L_overlay_start_2:
0x138: {  	(tag) =	ssettag $0x2  }
0x139: {  	s0 =	rddreg [dreg:$0x0];
	s2 =	stileid.u32  }
0x13a: {  	s1 =	rddreg [dreg:$0x1];
	p0 =	sne.s32 s2, $0x0  }
0x13b: {  	s3 =	rddreg [dreg:$0x2];
	[bflag:$0x3] =	sbarrier.arrive $0xFFFF;
	s2 =	simm.s32 @!p0 $0x1C02  }
0x13c: {  	[timem:s3], [sflag:s2] =	dma.local @!p0 [hbm:s0], s1  }
0x13d: {  	s0 =	simm.s32 @!p0 $0x2  }
0x13e: {  	_ =	swait.ge @!p0 [sflag:s0], s1  }
0x13f: {  	s1 =	ssub.s32 @!p0 $0x0, s1;
	[sflag:s0] =	ssyncset.done @!p0 $0x0  }
0x140: {  	[sflag:s0] =	ssyncadd.s32 @!p0 s1  }
0x141: {  	[bflag:$0x3] =	sbarrier.arrive $0xFFFF  }
0x142: {  	_ =	shalt  }

</sc_bundles>
